<compile_context>
chip_gen: v7x
topology: tpu7x:2x2x1
jax: 0.10.2.dev20260603
libtpu: 0.0.44.dev20260713+nightly
codegen_flags: <defaults>
</compile_context>

<pallas_src>
import functools

import jax
import jax.numpy as jnp
from jax import lax
from jax.experimental import pallas as pl
from jax.experimental.pallas import tpu as pltpu
from jax.experimental.pallas import tpu_sc as plsc

_NC = 2
_NS = 16
_NW = _NC * _NS


def _pick_chunk(per_worker: int) -> int:
    for c in range(min(per_worker // 2, 10240), 0, -8):
        if per_worker % c == 0 and (per_worker // c) % 2 == 0:
            return c
    raise ValueError(f"cannot chunk {per_worker}")


@functools.lru_cache(maxsize=None)
def _build(bl: int):
    assert bl % _NW == 0, bl
    per_w = bl // _NW
    chunk = _pick_chunk(per_w)
    n_steps = per_w // chunk
    assert n_steps >= 4 and n_steps % 2 == 0, n_steps

    mesh = plsc.VectorSubcoreMesh(
        core_axis_name="c", subcore_axis_name="s",
        num_cores=_NC, num_subcores=_NS)

    scratch = []
    for _ in range(2):
        scratch += [pltpu.VMEM((chunk,), jnp.int32)] * 2
        scratch += [pltpu.VMEM((chunk,), jnp.float32)] * 4
    scratch += [pltpu.SemaphoreType.DMA] * 6

    @functools.partial(
        pl.kernel,
        out_type=jax.ShapeDtypeStruct((4 * bl,), jnp.float32),
        mesh=mesh,
        scratch_types=scratch,
    )
    def gather_kernel(cos_h, nsin_h, exp_h, expd_h, ti_h, mi_h, out_h,
                      it0, im0, a0, a1, a2, a3,
                      it1, im1, b0, b1, b2, b3,
                      isem0, gsem0, ssem0, isem1, gsem1, ssem1):
        wid = lax.axis_index("s") * _NC + lax.axis_index("c")
        w_base = wid * per_w
        tabs = (cos_h, nsin_h, exp_h, expd_h)
        bufs = ((it0, im0, (a0, a1, a2, a3), isem0, gsem0, ssem0),
                (it1, im1, (b0, b1, b2, b3), isem1, gsem1, ssem1))

        def fire_idx(s, b):
            it_v, im_v, _, isem, _, _ = bufs[b]
            base = w_base + s * chunk
            pltpu.async_copy(ti_h.at[pl.ds(base, chunk)], it_v, isem)
            pltpu.async_copy(mi_h.at[pl.ds(base, chunk)], im_v, isem)

        def drain_idx(b):
            it_v, im_v, _, isem, _, _ = bufs[b]
            pltpu.make_async_copy(ti_h.at[pl.ds(0, chunk)], it_v, isem).wait()
            pltpu.make_async_copy(mi_h.at[pl.ds(0, chunk)], im_v, isem).wait()

        half = chunk // 2

        def fire_gathers(b):
            it_v, im_v, d, _, gsem, _ = bufs[b]
            idxs = (it_v, it_v, im_v, im_v)
            for t in range(4):
                for h in range(2):
                    pltpu.async_copy(
                        tabs[t].at[idxs[t].at[pl.ds(h * half, half)]],
                        d[t].at[pl.ds(h * half, half)], gsem)

        def drain_gathers(b):
            _, _, d, _, gsem, _ = bufs[b]
            for t in range(4):
                pltpu.make_async_copy(
                    cos_h.at[pl.ds(0, chunk)], d[t], gsem).wait()

        def fire_stores(s, b):
            _, _, d, _, _, ssem = bufs[b]
            base = w_base + s * chunk
            for t in range(4):
                pltpu.async_copy(d[t], out_h.at[pl.ds(t * bl + base, chunk)],
                                 ssem)

        def drain_stores(b):
            _, _, d, _, _, ssem = bufs[b]
            for t in range(4):
                pltpu.make_async_copy(
                    cos_h.at[pl.ds(0, chunk)], d[t], ssem).wait()

        def body(s, b):
            drain_idx(b)
            drain_stores(b)
            fire_gathers(b)
            drain_gathers(1 - b)
            fire_stores(s - 1, 1 - b)
            return s + 1

        fire_idx(0, 0)
        fire_idx(1, 1)
        drain_idx(0)
        fire_gathers(0)
        drain_idx(1)
        fire_gathers(1)
        drain_gathers(0)
        fire_stores(0, 0)
        fire_idx(2, 0)

        def loop_body(u, c):
            s = 2 * u
            fire_idx(body(s, 0), 1)
            fire_idx(body(s + 1, 1), 0)
            return c
        lax.fori_loop(1, n_steps // 2 - 1, loop_body, 0)

        fire_idx(body(n_steps - 2, 0), 1)
        body(n_steps - 1, 1)

        drain_gathers(1)
        fire_stores(n_steps - 1, 1)
        drain_stores(0)
        drain_stores(1)

    return gather_kernel


def kernel(theta_indices, mag_indices, cos_table, sin_table, exp_table,
           exp_deriv_table):
    b, l = theta_indices.shape
    bl = b * l
    ti = theta_indices.reshape(bl).astype(jnp.int32)
    mi = mag_indices.reshape(bl).astype(jnp.int32)
    out = _build(bl)(cos_table, sin_table, exp_table, exp_deriv_table,
                     ti, mi)
    sign = jnp.array([1.0, -1.0, 1.0, 1.0], jnp.float32).reshape(4, 1, 1)
    return out.reshape(4, b, l) * sign

# --- scband reference (transcript-rebuilt; emitter-appended) ---
"""Pipeline reference for scband-extended-lookup-table-module-4578435137847 (READ-ONLY COPY).

The authoritative reference and input builder live on the scoring server;
editing this copy changes nothing except your own understanding.
"""

import jax, jax.numpy as jnp
import numpy as np
import math

N = 1000000
M = 1000000
B = 16384
L = 200


def _make_tables():
    idx_n = jnp.arange(N, dtype=jnp.float32)
    idx_m = jnp.arange(M, dtype=jnp.float32)
    cos_table = jnp.cos(2 * math.pi * idx_n / N)
    sin_table = jnp.sin(2 * math.pi * idx_n / N)
    scaled = 2 * math.pi * idx_m / M
    exp_table = jnp.exp(jnp.sin(scaled))
    exp_deriv_table = jnp.exp(jnp.sin(scaled)) * jnp.cos(scaled)
    return cos_table, sin_table, exp_table, exp_deriv_table


def setup_inputs(seed: int = 0) -> dict:
    key = jax.random.key(seed)
    k1, k2 = jax.random.split(key)
    theta_indices = jax.random.randint(k1, (B, L), 0, N)
    mag_indices = jax.random.randint(k2, (B, L), 0, M)
    cos_table, sin_table, exp_table, exp_deriv_table = _make_tables()
    return {
        "theta_indices": theta_indices,
        "mag_indices": mag_indices,
        "cos_table": cos_table,
        "sin_table": sin_table,
        "exp_table": exp_table,
        "exp_deriv_table": exp_deriv_table,
    }


def reference(theta_indices, mag_indices, cos_table, sin_table, exp_table, exp_deriv_table):
    n = cos_table.shape[0]
    m = exp_table.shape[0]
    ti = theta_indices % n
    mi = mag_indices % m
    phase = jnp.take(cos_table, ti, axis=0)
    phase_grad = -jnp.take(sin_table, ti, axis=0)
    magnitude = jnp.take(exp_table, mi, axis=0)
    magnitude_grad = jnp.take(exp_deriv_table, mi, axis=0)
    return jnp.stack([phase, phase_grad, magnitude, magnitude_grad], axis=0)

if __name__ == "__main__":
    import jax
    _d = setup_inputs()
    print(jax.jit(kernel)(*tuple(_d.values())))

</pallas_src>

<mosaic_0001>
#map = affine_map<(d0, d1) -> (0)>
module attributes {stable_mosaic.version = 14 : i64} {
  func.func @gather_kernel(%arg0: i32, %arg1: i32, %arg2: memref<1000000xf32, #tpu.memory_space<hbm>>, %arg3: memref<1000000xf32, #tpu.memory_space<hbm>>, %arg4: memref<1000000xf32, #tpu.memory_space<hbm>>, %arg5: memref<1000000xf32, #tpu.memory_space<hbm>>, %arg6: memref<3276800xi32, #tpu.memory_space<hbm>>, %arg7: memref<3276800xi32, #tpu.memory_space<hbm>>, %arg8: memref<13107200xf32, #tpu.memory_space<hbm>>, %arg9: memref<10240xi32, #tpu.memory_space<vmem>>, %arg10: memref<10240xi32, #tpu.memory_space<vmem>>, %arg11: memref<10240xf32, #tpu.memory_space<vmem>>, %arg12: memref<10240xf32, #tpu.memory_space<vmem>>, %arg13: memref<10240xf32, #tpu.memory_space<vmem>>, %arg14: memref<10240xf32, #tpu.memory_space<vmem>>, %arg15: memref<10240xi32, #tpu.memory_space<vmem>>, %arg16: memref<10240xi32, #tpu.memory_space<vmem>>, %arg17: memref<10240xf32, #tpu.memory_space<vmem>>, %arg18: memref<10240xf32, #tpu.memory_space<vmem>>, %arg19: memref<10240xf32, #tpu.memory_space<vmem>>, %arg20: memref<10240xf32, #tpu.memory_space<vmem>>, %arg21: memref<!tpu.dma_semaphore, #tpu.memory_space<semaphore_mem>>, %arg22: memref<!tpu.dma_semaphore, #tpu.memory_space<semaphore_mem>>, %arg23: memref<!tpu.dma_semaphore, #tpu.memory_space<semaphore_mem>>, %arg24: memref<!tpu.dma_semaphore, #tpu.memory_space<semaphore_mem>>, %arg25: memref<!tpu.dma_semaphore, #tpu.memory_space<semaphore_mem>>, %arg26: memref<!tpu.dma_semaphore, #tpu.memory_space<semaphore_mem>>) attributes {dimension_semantics = [#tpu.dimension_semantics<core_parallel>, #tpu.dimension_semantics<subcore_parallel>], iteration_bounds = array<i64: 2, 16>, scalar_prefetch = 0 : i64, scratch_operands = 18 : i64, tpu.core_type = #tpu.core_type<sc_vector_subcore>, window_params = [{transform_indices = #map}, {transform_indices = #map}, {transform_indices = #map}, {transform_indices = #map}, {transform_indices = #map}, {transform_indices = #map}, {transform_indices = #map}]} {
    %mul3A = arith.constant 2 : i32
    %mul3A_0 = arith.muli %arg1, %mul3A : i32
    %add3A = arith.addi %mul3A_0, %arg0 : i32
    %mul3A_1 = arith.constant 102400 : i32
    %mul3A_2 = arith.muli %add3A, %mul3A_1 : i32
    %add3A_3 = arith.constant 0 : i32
    %add3A_4 = arith.addi %mul3A_2, %add3A_3 : i32
    %dma_start3A = tpu.memref_slice %arg6[%add3A_4] : memref<3276800xi32, #tpu.memory_space<hbm>> -> memref<10240xi32, #tpu.memory_space<hbm>>
    %dma_start3A_5 = tpu.memref_slice %arg6[%add3A_4] : memref<3276800xi32, #tpu.memory_space<hbm>> -> memref<10240xi32, #tpu.memory_space<hbm>>
    tpu.enqueue_dma source(%dma_start3A_5 : memref<10240xi32, #tpu.memory_space<hbm>>) target(%arg9 : memref<10240xi32, #tpu.memory_space<vmem>>) target_semaphore(%arg21 : memref<!tpu.dma_semaphore, #tpu.memory_space<semaphore_mem>>)
    %dma_start3A_6 = tpu.memref_slice %arg7[%add3A_4] : memref<3276800xi32, #tpu.memory_space<hbm>> -> memref<10240xi32, #tpu.memory_space<hbm>>
    %dma_start3A_7 = tpu.memref_slice %arg7[%add3A_4] : memref<3276800xi32, #tpu.memory_space<hbm>> -> memref<10240xi32, #tpu.memory_space<hbm>>
    tpu.enqueue_dma source(%dma_start3A_7 : memref<10240xi32, #tpu.memory_space<hbm>>) target(%arg10 : memref<10240xi32, #tpu.memory_space<vmem>>) target_semaphore(%arg21 : memref<!tpu.dma_semaphore, #tpu.memory_space<semaphore_mem>>)
    %add3A_8 = arith.constant 10240 : i32
    %add3A_9 = arith.addi %mul3A_2, %add3A_8 : i32
    %dma_start3A_10 = tpu.memref_slice %arg6[%add3A_9] : memref<3276800xi32, #tpu.memory_space<hbm>> -> memref<10240xi32, #tpu.memory_space<hbm>>
    %dma_start3A_11 = tpu.memref_slice %arg6[%add3A_9] : memref<3276800xi32, #tpu.memory_space<hbm>> -> memref<10240xi32, #tpu.memory_space<hbm>>
    tpu.enqueue_dma source(%dma_start3A_11 : memref<10240xi32, #tpu.memory_space<hbm>>) target(%arg15 : memref<10240xi32, #tpu.memory_space<vmem>>) target_semaphore(%arg24 : memref<!tpu.dma_semaphore, #tpu.memory_space<semaphore_mem>>)
    %dma_start3A_12 = tpu.memref_slice %arg7[%add3A_9] : memref<3276800xi32, #tpu.memory_space<hbm>> -> memref<10240xi32, #tpu.memory_space<hbm>>
    %dma_start3A_13 = tpu.memref_slice %arg7[%add3A_9] : memref<3276800xi32, #tpu.memory_space<hbm>> -> memref<10240xi32, #tpu.memory_space<hbm>>
    tpu.enqueue_dma source(%dma_start3A_13 : memref<10240xi32, #tpu.memory_space<hbm>>) target(%arg16 : memref<10240xi32, #tpu.memory_space<vmem>>) target_semaphore(%arg24 : memref<!tpu.dma_semaphore, #tpu.memory_space<semaphore_mem>>)
    %dma_wait3A = arith.constant 0 : i32
    %dma_wait3A_14 = tpu.memref_slice %arg6[%dma_wait3A] : memref<3276800xi32, #tpu.memory_space<hbm>> -> memref<10240xi32, #tpu.memory_space<hbm>>
    %dma_wait3A_15 = arith.constant 0 : i32
    %dma_wait3A_16 = tpu.memref_slice %arg6[%dma_wait3A_15] : memref<3276800xi32, #tpu.memory_space<hbm>> -> memref<10240xi32, #tpu.memory_space<hbm>>
    tpu.wait_dma2 semaphore(%arg21 : memref<!tpu.dma_semaphore, #tpu.memory_space<semaphore_mem>>) src(%dma_wait3A_16 : memref<10240xi32, #tpu.memory_space<hbm>>) dst(%arg9 : memref<10240xi32, #tpu.memory_space<vmem>>)
    %dma_wait3A_17 = arith.constant 0 : i32
    %dma_wait3A_18 = tpu.memref_slice %arg7[%dma_wait3A_17] : memref<3276800xi32, #tpu.memory_space<hbm>> -> memref<10240xi32, #tpu.memory_space<hbm>>
    %dma_wait3A_19 = arith.constant 0 : i32
    %dma_wait3A_20 = tpu.memref_slice %arg7[%dma_wait3A_19] : memref<3276800xi32, #tpu.memory_space<hbm>> -> memref<10240xi32, #tpu.memory_space<hbm>>
    tpu.wait_dma2 semaphore(%arg21 : memref<!tpu.dma_semaphore, #tpu.memory_space<semaphore_mem>>) src(%dma_wait3A_20 : memref<10240xi32, #tpu.memory_space<hbm>>) dst(%arg10 : memref<10240xi32, #tpu.memory_space<vmem>>)
    %dma_start3A_21 = arith.constant 0 : i32
    %dma_start3A_22 = tpu.memref_slice %arg11[%dma_start3A_21] : memref<10240xf32, #tpu.memory_space<vmem>> -> memref<5120xf32, #tpu.memory_space<vmem>>
    %dma_start3A_23 = arith.constant 0 : i32
    %dma_start3A_24 = tpu.memref_slice %arg9[%dma_start3A_23] : memref<10240xi32, #tpu.memory_space<vmem>> -> memref<5120xi32, #tpu.memory_space<vmem>>
    %dma_start3A_25 = arith.constant 0 : i32
    %dma_start3A_26 = tpu.memref_slice %arg2[%dma_start3A_25] : memref<1000000xf32, #tpu.memory_space<hbm>> -> memref<1000000xf32, #tpu.memory_space<hbm>>
    tpu.enqueue_indirect_dma source(%dma_start3A_26 : memref<1000000xf32, #tpu.memory_space<hbm>>) target(%dma_start3A_22 : memref<5120xf32, #tpu.memory_space<vmem>>) offsets(%dma_start3A_24 : memref<5120xi32, #tpu.memory_space<vmem>>) semaphore(%arg22 : memref<!tpu.dma_semaphore, #tpu.memory_space<semaphore_mem>>)
    %dma_start3A_27 = arith.constant 5120 : i32
    %dma_start3A_28 = tpu.memref_slice %arg11[%dma_start3A_27] : memref<10240xf32, #tpu.memory_space<vmem>> -> memref<5120xf32, #tpu.memory_space<vmem>>
    %dma_start3A_29 = arith.constant 5120 : i32
    %dma_start3A_30 = tpu.memref_slice %arg9[%dma_start3A_29] : memref<10240xi32, #tpu.memory_space<vmem>> -> memref<5120xi32, #tpu.memory_space<vmem>>
    %dma_start3A_31 = arith.constant 0 : i32
    %dma_start3A_32 = tpu.memref_slice %arg2[%dma_start3A_31] : memref<1000000xf32, #tpu.memory_space<hbm>> -> memref<1000000xf32, #tpu.memory_space<hbm>>
    tpu.enqueue_indirect_dma source(%dma_start3A_32 : memref<1000000xf32, #tpu.memory_space<hbm>>) target(%dma_start3A_28 : memref<5120xf32, #tpu.memory_space<vmem>>) offsets(%dma_start3A_30 : memref<5120xi32, #tpu.memory_space<vmem>>) semaphore(%arg22 : memref<!tpu.dma_semaphore, #tpu.memory_space<semaphore_mem>>)
    %dma_start3A_33 = arith.constant 0 : i32
    %dma_start3A_34 = tpu.memref_slice %arg12[%dma_start3A_33] : memref<10240xf32, #tpu.memory_space<vmem>> -> memref<5120xf32, #tpu.memory_space<vmem>>
    %dma_start3A_35 = arith.constant 0 : i32
    %dma_start3A_36 = tpu.memref_slice %arg9[%dma_start3A_35] : memref<10240xi32, #tpu.memory_space<vmem>> -> memref<5120xi32, #tpu.memory_space<vmem>>
    %dma_start3A_37 = arith.constant 0 : i32
    %dma_start3A_38 = tpu.memref_slice %arg3[%dma_start3A_37] : memref<1000000xf32, #tpu.memory_space<hbm>> -> memref<1000000xf32, #tpu.memory_space<hbm>>
    tpu.enqueue_indirect_dma source(%dma_start3A_38 : memref<1000000xf32, #tpu.memory_space<hbm>>) target(%dma_start3A_34 : memref<5120xf32, #tpu.memory_space<vmem>>) offsets(%dma_start3A_36 : memref<5120xi32, #tpu.memory_space<vmem>>) semaphore(%arg22 : memref<!tpu.dma_semaphore, #tpu.memory_space<semaphore_mem>>)
    %dma_start3A_39 = arith.constant 5120 : i32
    %dma_start3A_40 = tpu.memref_slice %arg12[%dma_start3A_39] : memref<10240xf32, #tpu.memory_space<vmem>> -> memref<5120xf32, #tpu.memory_space<vmem>>
    %dma_start3A_41 = arith.constant 5120 : i32
    %dma_start3A_42 = tpu.memref_slice %arg9[%dma_start3A_41] : memref<10240xi32, #tpu.memory_space<vmem>> -> memref<5120xi32, #tpu.memory_space<vmem>>
    %dma_start3A_43 = arith.constant 0 : i32
    %dma_start3A_44 = tpu.memref_slice %arg3[%dma_start3A_43] : memref<1000000xf32, #tpu.memory_space<hbm>> -> memref<1000000xf32, #tpu.memory_space<hbm>>
    tpu.enqueue_indirect_dma source(%dma_start3A_44 : memref<1000000xf32, #tpu.memory_space<hbm>>) target(%dma_start3A_40 : memref<5120xf32, #tpu.memory_space<vmem>>) offsets(%dma_start3A_42 : memref<5120xi32, #tpu.memory_space<vmem>>) semaphore(%arg22 : memref<!tpu.dma_semaphore, #tpu.memory_space<semaphore_mem>>)
    %dma_start3A_45 = arith.constant 0 : i32
    %dma_start3A_46 = tpu.memref_slice %arg13[%dma_start3A_45] : memref<10240xf32, #tpu.memory_space<vmem>> -> memref<5120xf32, #tpu.memory_space<vmem>>
    %dma_start3A_47 = arith.constant 0 : i32
    %dma_start3A_48 = tpu.memref_slice %arg10[%dma_start3A_47] : memref<10240xi32, #tpu.memory_space<vmem>> -> memref<5120xi32, #tpu.memory_space<vmem>>
    %dma_start3A_49 = arith.constant 0 : i32
    %dma_start3A_50 = tpu.memref_slice %arg4[%dma_start3A_49] : memref<1000000xf32, #tpu.memory_space<hbm>> -> memref<1000000xf32, #tpu.memory_space<hbm>>
    tpu.enqueue_indirect_dma source(%dma_start3A_50 : memref<1000000xf32, #tpu.memory_space<hbm>>) target(%dma_start3A_46 : memref<5120xf32, #tpu.memory_space<vmem>>) offsets(%dma_start3A_48 : memref<5120xi32, #tpu.memory_space<vmem>>) semaphore(%arg22 : memref<!tpu.dma_semaphore, #tpu.memory_space<semaphore_mem>>)
    %dma_start3A_51 = arith.constant 5120 : i32
    %dma_start3A_52 = tpu.memref_slice %arg13[%dma_start3A_51] : memref<10240xf32, #tpu.memory_space<vmem>> -> memref<5120xf32, #tpu.memory_space<vmem>>
    %dma_start3A_53 = arith.constant 5120 : i32
    %dma_start3A_54 = tpu.memref_slice %arg10[%dma_start3A_53] : memref<10240xi32, #tpu.memory_space<vmem>> -> memref<5120xi32, #tpu.memory_space<vmem>>
    %dma_start3A_55 = arith.constant 0 : i32
    %dma_start3A_56 = tpu.memref_slice %arg4[%dma_start3A_55] : memref<1000000xf32, #tpu.memory_space<hbm>> -> memref<1000000xf32, #tpu.memory_space<hbm>>
    tpu.enqueue_indirect_dma source(%dma_start3A_56 : memref<1000000xf32, #tpu.memory_space<hbm>>) target(%dma_start3A_52 : memref<5120xf32, #tpu.memory_space<vmem>>) offsets(%dma_start3A_54 : memref<5120xi32, #tpu.memory_space<vmem>>) semaphore(%arg22 : memref<!tpu.dma_semaphore, #tpu.memory_space<semaphore_mem>>)
    %dma_start3A_57 = arith.constant 0 : i32
    %dma_start3A_58 = tpu.memref_slice %arg14[%dma_start3A_57] : memref<10240xf32, #tpu.memory_space<vmem>> -> memref<5120xf32, #tpu.memory_space<vmem>>
    %dma_start3A_59 = arith.constant 0 : i32
    %dma_start3A_60 = tpu.memref_slice %arg10[%dma_start3A_59] : memref<10240xi32, #tpu.memory_space<vmem>> -> memref<5120xi32, #tpu.memory_space<vmem>>
    %dma_start3A_61 = arith.constant 0 : i32
    %dma_start3A_62 = tpu.memref_slice %arg5[%dma_start3A_61] : memref<1000000xf32, #tpu.memory_space<hbm>> -> memref<1000000xf32, #tpu.memory_space<hbm>>
    tpu.enqueue_indirect_dma source(%dma_start3A_62 : memref<1000000xf32, #tpu.memory_space<hbm>>) target(%dma_start3A_58 : memref<5120xf32, #tpu.memory_space<vmem>>) offsets(%dma_start3A_60 : memref<5120xi32, #tpu.memory_space<vmem>>) semaphore(%arg22 : memref<!tpu.dma_semaphore, #tpu.memory_space<semaphore_mem>>)
    %dma_start3A_63 = arith.constant 5120 : i32
    %dma_start3A_64 = tpu.memref_slice %arg14[%dma_start3A_63] : memref<10240xf32, #tpu.memory_space<vmem>> -> memref<5120xf32, #tpu.memory_space<vmem>>
    %dma_start3A_65 = arith.constant 5120 : i32
    %dma_start3A_66 = tpu.memref_slice %arg10[%dma_start3A_65] : memref<10240xi32, #tpu.memory_space<vmem>> -> memref<5120xi32, #tpu.memory_space<vmem>>
    %dma_start3A_67 = arith.constant 0 : i32
    %dma_start3A_68 = tpu.memref_slice %arg5[%dma_start3A_67] : memref<1000000xf32, #tpu.memory_space<hbm>> -> memref<1000000xf32, #tpu.memory_space<hbm>>
    tpu.enqueue_indirect_dma source(%dma_start3A_68 : memref<1000000xf32, #tpu.memory_space<hbm>>) target(%dma_start3A_64 : memref<5120xf32, #tpu.memory_space<vmem>>) offsets(%dma_start3A_66 : memref<5120xi32, #tpu.memory_space<vmem>>) semaphore(%arg22 : memref<!tpu.dma_semaphore, #tpu.memory_space<semaphore_mem>>)
    %dma_wait3A_69 = arith.constant 0 : i32
    %dma_wait3A_70 = tpu.memref_slice %arg6[%dma_wait3A_69] : memref<3276800xi32, #tpu.memory_space<hbm>> -> memref<10240xi32, #tpu.memory_space<hbm>>
    %dma_wait3A_71 = arith.constant 0 : i32
    %dma_wait3A_72 = tpu.memref_slice %arg6[%dma_wait3A_71] : memref<3276800xi32, #tpu.memory_space<hbm>> -> memref<10240xi32, #tpu.memory_space<hbm>>
    tpu.wait_dma2 semaphore(%arg24 : memref<!tpu.dma_semaphore, #tpu.memory_space<semaphore_mem>>) src(%dma_wait3A_72 : memref<10240xi32, #tpu.memory_space<hbm>>) dst(%arg15 : memref<10240xi32, #tpu.memory_space<vmem>>)
    %dma_wait3A_73 = arith.constant 0 : i32
    %dma_wait3A_74 = tpu.memref_slice %arg7[%dma_wait3A_73] : memref<3276800xi32, #tpu.memory_space<hbm>> -> memref<10240xi32, #tpu.memory_space<hbm>>
    %dma_wait3A_75 = arith.constant 0 : i32
    %dma_wait3A_76 = tpu.memref_slice %arg7[%dma_wait3A_75] : memref<3276800xi32, #tpu.memory_space<hbm>> -> memref<10240xi32, #tpu.memory_space<hbm>>
    tpu.wait_dma2 semaphore(%arg24 : memref<!tpu.dma_semaphore, #tpu.memory_space<semaphore_mem>>) src(%dma_wait3A_76 : memref<10240xi32, #tpu.memory_space<hbm>>) dst(%arg16 : memref<10240xi32, #tpu.memory_space<vmem>>)
    %dma_start3A_77 = arith.constant 0 : i32
    %dma_start3A_78 = tpu.memref_slice %arg17[%dma_start3A_77] : memref<10240xf32, #tpu.memory_space<vmem>> -> memref<5120xf32, #tpu.memory_space<vmem>>
    %dma_start3A_79 = arith.constant 0 : i32
    %dma_start3A_80 = tpu.memref_slice %arg15[%dma_start3A_79] : memref<10240xi32, #tpu.memory_space<vmem>> -> memref<5120xi32, #tpu.memory_space<vmem>>
    %dma_start3A_81 = arith.constant 0 : i32
    %dma_start3A_82 = tpu.memref_slice %arg2[%dma_start3A_81] : memref<1000000xf32, #tpu.memory_space<hbm>> -> memref<1000000xf32, #tpu.memory_space<hbm>>
    tpu.enqueue_indirect_dma source(%dma_start3A_82 : memref<1000000xf32, #tpu.memory_space<hbm>>) target(%dma_start3A_78 : memref<5120xf32, #tpu.memory_space<vmem>>) offsets(%dma_start3A_80 : memref<5120xi32, #tpu.memory_space<vmem>>) semaphore(%arg25 : memref<!tpu.dma_semaphore, #tpu.memory_space<semaphore_mem>>)
    %dma_start3A_83 = arith.constant 5120 : i32
    %dma_start3A_84 = tpu.memref_slice %arg17[%dma_start3A_83] : memref<10240xf32, #tpu.memory_space<vmem>> -> memref<5120xf32, #tpu.memory_space<vmem>>
    %dma_start3A_85 = arith.constant 5120 : i32
    %dma_start3A_86 = tpu.memref_slice %arg15[%dma_start3A_85] : memref<10240xi32, #tpu.memory_space<vmem>> -> memref<5120xi32, #tpu.memory_space<vmem>>
    %dma_start3A_87 = arith.constant 0 : i32
    %dma_start3A_88 = tpu.memref_slice %arg2[%dma_start3A_87] : memref<1000000xf32, #tpu.memory_space<hbm>> -> memref<1000000xf32, #tpu.memory_space<hbm>>
    tpu.enqueue_indirect_dma source(%dma_start3A_88 : memref<1000000xf32, #tpu.memory_space<hbm>>) target(%dma_start3A_84 : memref<5120xf32, #tpu.memory_space<vmem>>) offsets(%dma_start3A_86 : memref<5120xi32, #tpu.memory_space<vmem>>) semaphore(%arg25 : memref<!tpu.dma_semaphore, #tpu.memory_space<semaphore_mem>>)
    %dma_start3A_89 = arith.constant 0 : i32
    %dma_start3A_90 = tpu.memref_slice %arg18[%dma_start3A_89] : memref<10240xf32, #tpu.memory_space<vmem>> -> memref<5120xf32, #tpu.memory_space<vmem>>
    %dma_start3A_91 = arith.constant 0 : i32
    %dma_start3A_92 = tpu.memref_slice %arg15[%dma_start3A_91] : memref<10240xi32, #tpu.memory_space<vmem>> -> memref<5120xi32, #tpu.memory_space<vmem>>
    %dma_start3A_93 = arith.constant 0 : i32
    %dma_start3A_94 = tpu.memref_slice %arg3[%dma_start3A_93] : memref<1000000xf32, #tpu.memory_space<hbm>> -> memref<1000000xf32, #tpu.memory_space<hbm>>
    tpu.enqueue_indirect_dma source(%dma_start3A_94 : memref<1000000xf32, #tpu.memory_space<hbm>>) target(%dma_start3A_90 : memref<5120xf32, #tpu.memory_space<vmem>>) offsets(%dma_start3A_92 : memref<5120xi32, #tpu.memory_space<vmem>>) semaphore(%arg25 : memref<!tpu.dma_semaphore, #tpu.memory_space<semaphore_mem>>)
    %dma_start3A_95 = arith.constant 5120 : i32
    %dma_start3A_96 = tpu.memref_slice %arg18[%dma_start3A_95] : memref<10240xf32, #tpu.memory_space<vmem>> -> memref<5120xf32, #tpu.memory_space<vmem>>
    %dma_start3A_97 = arith.constant 5120 : i32
    %dma_start3A_98 = tpu.memref_slice %arg15[%dma_start3A_97] : memref<10240xi32, #tpu.memory_space<vmem>> -> memref<5120xi32, #tpu.memory_space<vmem>>
    %dma_start3A_99 = arith.constant 0 : i32
    %dma_start3A_100 = tpu.memref_slice %arg3[%dma_start3A_99] : memref<1000000xf32, #tpu.memory_space<hbm>> -> memref<1000000xf32, #tpu.memory_space<hbm>>
    tpu.enqueue_indirect_dma source(%dma_start3A_100 : memref<1000000xf32, #tpu.memory_space<hbm>>) target(%dma_start3A_96 : memref<5120xf32, #tpu.memory_space<vmem>>) offsets(%dma_start3A_98 : memref<5120xi32, #tpu.memory_space<vmem>>) semaphore(%arg25 : memref<!tpu.dma_semaphore, #tpu.memory_space<semaphore_mem>>)
    %dma_start3A_101 = arith.constant 0 : i32
    %dma_start3A_102 = tpu.memref_slice %arg19[%dma_start3A_101] : memref<10240xf32, #tpu.memory_space<vmem>> -> memref<5120xf32, #tpu.memory_space<vmem>>
    %dma_start3A_103 = arith.constant 0 : i32
    %dma_start3A_104 = tpu.memref_slice %arg16[%dma_start3A_103] : memref<10240xi32, #tpu.memory_space<vmem>> -> memref<5120xi32, #tpu.memory_space<vmem>>
    %dma_start3A_105 = arith.constant 0 : i32
    %dma_start3A_106 = tpu.memref_slice %arg4[%dma_start3A_105] : memref<1000000xf32, #tpu.memory_space<hbm>> -> memref<1000000xf32, #tpu.memory_space<hbm>>
    tpu.enqueue_indirect_dma source(%dma_start3A_106 : memref<1000000xf32, #tpu.memory_space<hbm>>) target(%dma_start3A_102 : memref<5120xf32, #tpu.memory_space<vmem>>) offsets(%dma_start3A_104 : memref<5120xi32, #tpu.memory_space<vmem>>) semaphore(%arg25 : memref<!tpu.dma_semaphore, #tpu.memory_space<semaphore_mem>>)
    %dma_start3A_107 = arith.constant 5120 : i32
    %dma_start3A_108 = tpu.memref_slice %arg19[%dma_start3A_107] : memref<10240xf32, #tpu.memory_space<vmem>> -> memref<5120xf32, #tpu.memory_space<vmem>>
    %dma_start3A_109 = arith.constant 5120 : i32
    %dma_start3A_110 = tpu.memref_slice %arg16[%dma_start3A_109] : memref<10240xi32, #tpu.memory_space<vmem>> -> memref<5120xi32, #tpu.memory_space<vmem>>
    %dma_start3A_111 = arith.constant 0 : i32
    %dma_start3A_112 = tpu.memref_slice %arg4[%dma_start3A_111] : memref<1000000xf32, #tpu.memory_space<hbm>> -> memref<1000000xf32, #tpu.memory_space<hbm>>
    tpu.enqueue_indirect_dma source(%dma_start3A_112 : memref<1000000xf32, #tpu.memory_space<hbm>>) target(%dma_start3A_108 : memref<5120xf32, #tpu.memory_space<vmem>>) offsets(%dma_start3A_110 : memref<5120xi32, #tpu.memory_space<vmem>>) semaphore(%arg25 : memref<!tpu.dma_semaphore, #tpu.memory_space<semaphore_mem>>)
    %dma_start3A_113 = arith.constant 0 : i32
    %dma_start3A_114 = tpu.memref_slice %arg20[%dma_start3A_113] : memref<10240xf32, #tpu.memory_space<vmem>> -> memref<5120xf32, #tpu.memory_space<vmem>>
    %dma_start3A_115 = arith.constant 0 : i32
    %dma_start3A_116 = tpu.memref_slice %arg16[%dma_start3A_115] : memref<10240xi32, #tpu.memory_space<vmem>> -> memref<5120xi32, #tpu.memory_space<vmem>>
    %dma_start3A_117 = arith.constant 0 : i32
    %dma_start3A_118 = tpu.memref_slice %arg5[%dma_start3A_117] : memref<1000000xf32, #tpu.memory_space<hbm>> -> memref<1000000xf32, #tpu.memory_space<hbm>>
    tpu.enqueue_indirect_dma source(%dma_start3A_118 : memref<1000000xf32, #tpu.memory_space<hbm>>) target(%dma_start3A_114 : memref<5120xf32, #tpu.memory_space<vmem>>) offsets(%dma_start3A_116 : memref<5120xi32, #tpu.memory_space<vmem>>) semaphore(%arg25 : memref<!tpu.dma_semaphore, #tpu.memory_space<semaphore_mem>>)
    %dma_start3A_119 = arith.constant 5120 : i32
    %dma_start3A_120 = tpu.memref_slice %arg20[%dma_start3A_119] : memref<10240xf32, #tpu.memory_space<vmem>> -> memref<5120xf32, #tpu.memory_space<vmem>>
    %dma_start3A_121 = arith.constant 5120 : i32
    %dma_start3A_122 = tpu.memref_slice %arg16[%dma_start3A_121] : memref<10240xi32, #tpu.memory_space<vmem>> -> memref<5120xi32, #tpu.memory_space<vmem>>
    %dma_start3A_123 = arith.constant 0 : i32
    %dma_start3A_124 = tpu.memref_slice %arg5[%dma_start3A_123] : memref<1000000xf32, #tpu.memory_space<hbm>> -> memref<1000000xf32, #tpu.memory_space<hbm>>
    tpu.enqueue_indirect_dma source(%dma_start3A_124 : memref<1000000xf32, #tpu.memory_space<hbm>>) target(%dma_start3A_120 : memref<5120xf32, #tpu.memory_space<vmem>>) offsets(%dma_start3A_122 : memref<5120xi32, #tpu.memory_space<vmem>>) semaphore(%arg25 : memref<!tpu.dma_semaphore, #tpu.memory_space<semaphore_mem>>)
    %dma_wait3A_125 = arith.constant 0 : i32
    %dma_wait3A_126 = tpu.memref_slice %arg2[%dma_wait3A_125] : memref<1000000xf32, #tpu.memory_space<hbm>> -> memref<10240xf32, #tpu.memory_space<hbm>>
    %dma_wait3A_127 = arith.constant 0 : i32
    %dma_wait3A_128 = tpu.memref_slice %arg2[%dma_wait3A_127] : memref<1000000xf32, #tpu.memory_space<hbm>> -> memref<10240xf32, #tpu.memory_space<hbm>>
    tpu.wait_dma2 semaphore(%arg22 : memref<!tpu.dma_semaphore, #tpu.memory_space<semaphore_mem>>) src(%dma_wait3A_128 : memref<10240xf32, #tpu.memory_space<hbm>>) dst(%arg11 : memref<10240xf32, #tpu.memory_space<vmem>>)
    %dma_wait3A_129 = arith.constant 0 : i32
    %dma_wait3A_130 = tpu.memref_slice %arg2[%dma_wait3A_129] : memref<1000000xf32, #tpu.memory_space<hbm>> -> memref<10240xf32, #tpu.memory_space<hbm>>
    %dma_wait3A_131 = arith.constant 0 : i32
    %dma_wait3A_132 = tpu.memref_slice %arg2[%dma_wait3A_131] : memref<1000000xf32, #tpu.memory_space<hbm>> -> memref<10240xf32, #tpu.memory_space<hbm>>
    tpu.wait_dma2 semaphore(%arg22 : memref<!tpu.dma_semaphore, #tpu.memory_space<semaphore_mem>>) src(%dma_wait3A_132 : memref<10240xf32, #tpu.memory_space<hbm>>) dst(%arg12 : memref<10240xf32, #tpu.memory_space<vmem>>)
    %dma_wait3A_133 = arith.constant 0 : i32
    %dma_wait3A_134 = tpu.memref_slice %arg2[%dma_wait3A_133] : memref<1000000xf32, #tpu.memory_space<hbm>> -> memref<10240xf32, #tpu.memory_space<hbm>>
    %dma_wait3A_135 = arith.constant 0 : i32
    %dma_wait3A_136 = tpu.memref_slice %arg2[%dma_wait3A_135] : memref<1000000xf32, #tpu.memory_space<hbm>> -> memref<10240xf32, #tpu.memory_space<hbm>>
    tpu.wait_dma2 semaphore(%arg22 : memref<!tpu.dma_semaphore, #tpu.memory_space<semaphore_mem>>) src(%dma_wait3A_136 : memref<10240xf32, #tpu.memory_space<hbm>>) dst(%arg13 : memref<10240xf32, #tpu.memory_space<vmem>>)
    %dma_wait3A_137 = arith.constant 0 : i32
    %dma_wait3A_138 = tpu.memref_slice %arg2[%dma_wait3A_137] : memref<1000000xf32, #tpu.memory_space<hbm>> -> memref<10240xf32, #tpu.memory_space<hbm>>
    %dma_wait3A_139 = arith.constant 0 : i32
    %dma_wait3A_140 = tpu.memref_slice %arg2[%dma_wait3A_139] : memref<1000000xf32, #tpu.memory_space<hbm>> -> memref<10240xf32, #tpu.memory_space<hbm>>
    tpu.wait_dma2 semaphore(%arg22 : memref<!tpu.dma_semaphore, #tpu.memory_space<semaphore_mem>>) src(%dma_wait3A_140 : memref<10240xf32, #tpu.memory_space<hbm>>) dst(%arg14 : memref<10240xf32, #tpu.memory_space<vmem>>)
    %add3A_141 = arith.constant 0 : i32
    %add3A_142 = arith.addi %mul3A_2, %add3A_141 : i32
    %add3A_143 = arith.constant 0 : i32
    %add3A_144 = arith.addi %add3A_143, %add3A_142 : i32
    %dma_start3A_145 = tpu.memref_slice %arg8[%add3A_144] : memref<13107200xf32, #tpu.memory_space<hbm>> -> memref<10240xf32, #tpu.memory_space<hbm>>
    %dma_start3A_146 = tpu.memref_slice %arg8[%add3A_144] : memref<13107200xf32, #tpu.memory_space<hbm>> -> memref<10240xf32, #tpu.memory_space<hbm>>
    tpu.enqueue_dma source(%arg11 : memref<10240xf32, #tpu.memory_space<vmem>>) target(%dma_start3A_146 : memref<10240xf32, #tpu.memory_space<hbm>>) target_semaphore(%arg23 : memref<!tpu.dma_semaphore, #tpu.memory_space<semaphore_mem>>)
    %add3A_147 = arith.constant 3276800 : i32
    %add3A_148 = arith.addi %add3A_147, %add3A_142 : i32
    %dma_start3A_149 = tpu.memref_slice %arg8[%add3A_148] : memref<13107200xf32, #tpu.memory_space<hbm>> -> memref<10240xf32, #tpu.memory_space<hbm>>
    %dma_start3A_150 = tpu.memref_slice %arg8[%add3A_148] : memref<13107200xf32, #tpu.memory_space<hbm>> -> memref<10240xf32, #tpu.memory_space<hbm>>
    tpu.enqueue_dma source(%arg12 : memref<10240xf32, #tpu.memory_space<vmem>>) target(%dma_start3A_150 : memref<10240xf32, #tpu.memory_space<hbm>>) target_semaphore(%arg23 : memref<!tpu.dma_semaphore, #tpu.memory_space<semaphore_mem>>)
    %add3A_151 = arith.constant 6553600 : i32
    %add3A_152 = arith.addi %add3A_151, %add3A_142 : i32
    %dma_start3A_153 = tpu.memref_slice %arg8[%add3A_152] : memref<13107200xf32, #tpu.memory_space<hbm>> -> memref<10240xf32, #tpu.memory_space<hbm>>
    %dma_start3A_154 = tpu.memref_slice %arg8[%add3A_152] : memref<13107200xf32, #tpu.memory_space<hbm>> -> memref<10240xf32, #tpu.memory_space<hbm>>
    tpu.enqueue_dma source(%arg13 : memref<10240xf32, #tpu.memory_space<vmem>>) target(%dma_start3A_154 : memref<10240xf32, #tpu.memory_space<hbm>>) target_semaphore(%arg23 : memref<!tpu.dma_semaphore, #tpu.memory_space<semaphore_mem>>)
    %add3A_155 = arith.constant 9830400 : i32
    %add3A_156 = arith.addi %add3A_155, %add3A_142 : i32
    %dma_start3A_157 = tpu.memref_slice %arg8[%add3A_156] : memref<13107200xf32, #tpu.memory_space<hbm>> -> memref<10240xf32, #tpu.memory_space<hbm>>
    %dma_start3A_158 = tpu.memref_slice %arg8[%add3A_156] : memref<13107200xf32, #tpu.memory_space<hbm>> -> memref<10240xf32, #tpu.memory_space<hbm>>
    tpu.enqueue_dma source(%arg14 : memref<10240xf32, #tpu.memory_space<vmem>>) target(%dma_start3A_158 : memref<10240xf32, #tpu.memory_space<hbm>>) target_semaphore(%arg23 : memref<!tpu.dma_semaphore, #tpu.memory_space<semaphore_mem>>)
    %add3A_159 = arith.constant 20480 : i32
    %add3A_160 = arith.addi %mul3A_2, %add3A_159 : i32
    %dma_start3A_161 = tpu.memref_slice %arg6[%add3A_160] : memref<3276800xi32, #tpu.memory_space<hbm>> -> memref<10240xi32, #tpu.memory_space<hbm>>
    %dma_start3A_162 = tpu.memref_slice %arg6[%add3A_160] : memref<3276800xi32, #tpu.memory_space<hbm>> -> memref<10240xi32, #tpu.memory_space<hbm>>
    tpu.enqueue_dma source(%dma_start3A_162 : memref<10240xi32, #tpu.memory_space<hbm>>) target(%arg9 : memref<10240xi32, #tpu.memory_space<vmem>>) target_semaphore(%arg21 : memref<!tpu.dma_semaphore, #tpu.memory_space<semaphore_mem>>)
    %dma_start3A_163 = tpu.memref_slice %arg7[%add3A_160] : memref<3276800xi32, #tpu.memory_space<hbm>> -> memref<10240xi32, #tpu.memory_space<hbm>>
    %dma_start3A_164 = tpu.memref_slice %arg7[%add3A_160] : memref<3276800xi32, #tpu.memory_space<hbm>> -> memref<10240xi32, #tpu.memory_space<hbm>>
    tpu.enqueue_dma source(%dma_start3A_164 : memref<10240xi32, #tpu.memory_space<hbm>>) target(%arg10 : memref<10240xi32, #tpu.memory_space<vmem>>) target_semaphore(%arg21 : memref<!tpu.dma_semaphore, #tpu.memory_space<semaphore_mem>>)
    %scan3A = arith.constant 0 : i32
    %scan3A_165 = arith.constant 1 : i32
    %scan3A_166 = arith.constant 3 : i32
    %scan3A_167 = arith.addi %scan3A_165, %scan3A_166 : i32
    %scan3A_168 = arith.constant 1 : i32
    scf.for %scan3A_454 = %scan3A_165 to %scan3A_167 step %scan3A_168  : i32 {
      %mul3A_455 = arith.constant 2 : i32
      %mul3A_456 = arith.muli %mul3A_455, %scan3A_454 : i32
      %dma_wait3A_457 = arith.constant 0 : i32
      %dma_wait3A_458 = tpu.memref_slice %arg6[%dma_wait3A_457] : memref<3276800xi32, #tpu.memory_space<hbm>> -> memref<10240xi32, #tpu.memory_space<hbm>>
      %dma_wait3A_459 = arith.constant 0 : i32
      %dma_wait3A_460 = tpu.memref_slice %arg6[%dma_wait3A_459] : memref<3276800xi32, #tpu.memory_space<hbm>> -> memref<10240xi32, #tpu.memory_space<hbm>>
      tpu.wait_dma2 semaphore(%arg21 : memref<!tpu.dma_semaphore, #tpu.memory_space<semaphore_mem>>) src(%dma_wait3A_460 : memref<10240xi32, #tpu.memory_space<hbm>>) dst(%arg9 : memref<10240xi32, #tpu.memory_space<vmem>>)
      %dma_wait3A_461 = arith.constant 0 : i32
      %dma_wait3A_462 = tpu.memref_slice %arg7[%dma_wait3A_461] : memref<3276800xi32, #tpu.memory_space<hbm>> -> memref<10240xi32, #tpu.memory_space<hbm>>
      %dma_wait3A_463 = arith.constant 0 : i32
      %dma_wait3A_464 = tpu.memref_slice %arg7[%dma_wait3A_463] : memref<3276800xi32, #tpu.memory_space<hbm>> -> memref<10240xi32, #tpu.memory_space<hbm>>
      tpu.wait_dma2 semaphore(%arg21 : memref<!tpu.dma_semaphore, #tpu.memory_space<semaphore_mem>>) src(%dma_wait3A_464 : memref<10240xi32, #tpu.memory_space<hbm>>) dst(%arg10 : memref<10240xi32, #tpu.memory_space<vmem>>)
      %dma_wait3A_465 = arith.constant 0 : i32
      %dma_wait3A_466 = tpu.memref_slice %arg2[%dma_wait3A_465] : memref<1000000xf32, #tpu.memory_space<hbm>> -> memref<10240xf32, #tpu.memory_space<hbm>>
      %dma_wait3A_467 = arith.constant 0 : i32
      %dma_wait3A_468 = tpu.memref_slice %arg2[%dma_wait3A_467] : memref<1000000xf32, #tpu.memory_space<hbm>> -> memref<10240xf32, #tpu.memory_space<hbm>>
      tpu.wait_dma2 semaphore(%arg23 : memref<!tpu.dma_semaphore, #tpu.memory_space<semaphore_mem>>) src(%dma_wait3A_468 : memref<10240xf32, #tpu.memory_space<hbm>>) dst(%arg11 : memref<10240xf32, #tpu.memory_space<vmem>>)
      %dma_wait3A_469 = arith.constant 0 : i32
      %dma_wait3A_470 = tpu.memref_slice %arg2[%dma_wait3A_469] : memref<1000000xf32, #tpu.memory_space<hbm>> -> memref<10240xf32, #tpu.memory_space<hbm>>
      %dma_wait3A_471 = arith.constant 0 : i32
      %dma_wait3A_472 = tpu.memref_slice %arg2[%dma_wait3A_471] : memref<1000000xf32, #tpu.memory_space<hbm>> -> memref<10240xf32, #tpu.memory_space<hbm>>
      tpu.wait_dma2 semaphore(%arg23 : memref<!tpu.dma_semaphore, #tpu.memory_space<semaphore_mem>>) src(%dma_wait3A_472 : memref<10240xf32, #tpu.memory_space<hbm>>) dst(%arg12 : memref<10240xf32, #tpu.memory_space<vmem>>)
      %dma_wait3A_473 = arith.constant 0 : i32
      %dma_wait3A_474 = tpu.memref_slice %arg2[%dma_wait3A_473] : memref<1000000xf32, #tpu.memory_space<hbm>> -> memref<10240xf32, #tpu.memory_space<hbm>>
      %dma_wait3A_475 = arith.constant 0 : i32
      %dma_wait3A_476 = tpu.memref_slice %arg2[%dma_wait3A_475] : memref<1000000xf32, #tpu.memory_space<hbm>> -> memref<10240xf32, #tpu.memory_space<hbm>>
      tpu.wait_dma2 semaphore(%arg23 : memref<!tpu.dma_semaphore, #tpu.memory_space<semaphore_mem>>) src(%dma_wait3A_476 : memref<10240xf32, #tpu.memory_space<hbm>>) dst(%arg13 : memref<10240xf32, #tpu.memory_space<vmem>>)
      %dma_wait3A_477 = arith.constant 0 : i32
      %dma_wait3A_478 = tpu.memref_slice %arg2[%dma_wait3A_477] : memref<1000000xf32, #tpu.memory_space<hbm>> -> memref<10240xf32, #tpu.memory_space<hbm>>
      %dma_wait3A_479 = arith.constant 0 : i32
      %dma_wait3A_480 = tpu.memref_slice %arg2[%dma_wait3A_479] : memref<1000000xf32, #tpu.memory_space<hbm>> -> memref<10240xf32, #tpu.memory_space<hbm>>
      tpu.wait_dma2 semaphore(%arg23 : memref<!tpu.dma_semaphore, #tpu.memory_space<semaphore_mem>>) src(%dma_wait3A_480 : memref<10240xf32, #tpu.memory_space<hbm>>) dst(%arg14 : memref<10240xf32, #tpu.memory_space<vmem>>)
      %dma_start3A_481 = arith.constant 0 : i32
      %dma_start3A_482 = tpu.memref_slice %arg11[%dma_start3A_481] : memref<10240xf32, #tpu.memory_space<vmem>> -> memref<5120xf32, #tpu.memory_space<vmem>>
      %dma_start3A_483 = arith.constant 0 : i32
      %dma_start3A_484 = tpu.memref_slice %arg9[%dma_start3A_483] : memref<10240xi32, #tpu.memory_space<vmem>> -> memref<5120xi32, #tpu.memory_space<vmem>>
      %dma_start3A_485 = arith.constant 0 : i32
      %dma_start3A_486 = tpu.memref_slice %arg2[%dma_start3A_485] : memref<1000000xf32, #tpu.memory_space<hbm>> -> memref<1000000xf32, #tpu.memory_space<hbm>>
      tpu.enqueue_indirect_dma source(%dma_start3A_486 : memref<1000000xf32, #tpu.memory_space<hbm>>) target(%dma_start3A_482 : memref<5120xf32, #tpu.memory_space<vmem>>) offsets(%dma_start3A_484 : memref<5120xi32, #tpu.memory_space<vmem>>) semaphore(%arg22 : memref<!tpu.dma_semaphore, #tpu.memory_space<semaphore_mem>>)
      %dma_start3A_487 = arith.constant 5120 : i32
      %dma_start3A_488 = tpu.memref_slice %arg11[%dma_start3A_487] : memref<10240xf32, #tpu.memory_space<vmem>> -> memref<5120xf32, #tpu.memory_space<vmem>>
      %dma_start3A_489 = arith.constant 5120 : i32
      %dma_start3A_490 = tpu.memref_slice %arg9[%dma_start3A_489] : memref<10240xi32, #tpu.memory_space<vmem>> -> memref<5120xi32, #tpu.memory_space<vmem>>
      %dma_start3A_491 = arith.constant 0 : i32
      %dma_start3A_492 = tpu.memref_slice %arg2[%dma_start3A_491] : memref<1000000xf32, #tpu.memory_space<hbm>> -> memref<1000000xf32, #tpu.memory_space<hbm>>
      tpu.enqueue_indirect_dma source(%dma_start3A_492 : memref<1000000xf32, #tpu.memory_space<hbm>>) target(%dma_start3A_488 : memref<5120xf32, #tpu.memory_space<vmem>>) offsets(%dma_start3A_490 : memref<5120xi32, #tpu.memory_space<vmem>>) semaphore(%arg22 : memref<!tpu.dma_semaphore, #tpu.memory_space<semaphore_mem>>)
      %dma_start3A_493 = arith.constant 0 : i32
      %dma_start3A_494 = tpu.memref_slice %arg12[%dma_start3A_493] : memref<10240xf32, #tpu.memory_space<vmem>> -> memref<5120xf32, #tpu.memory_space<vmem>>
      %dma_start3A_495 = arith.constant 0 : i32
      %dma_start3A_496 = tpu.memref_slice %arg9[%dma_start3A_495] : memref<10240xi32, #tpu.memory_space<vmem>> -> memref<5120xi32, #tpu.memory_space<vmem>>
      %dma_start3A_497 = arith.constant 0 : i32
      %dma_start3A_498 = tpu.memref_slice %arg3[%dma_start3A_497] : memref<1000000xf32, #tpu.memory_space<hbm>> -> memref<1000000xf32, #tpu.memory_space<hbm>>
      tpu.enqueue_indirect_dma source(%dma_start3A_498 : memref<1000000xf32, #tpu.memory_space<hbm>>) target(%dma_start3A_494 : memref<5120xf32, #tpu.memory_space<vmem>>) offsets(%dma_start3A_496 : memref<5120xi32, #tpu.memory_space<vmem>>) semaphore(%arg22 : memref<!tpu.dma_semaphore, #tpu.memory_space<semaphore_mem>>)
      %dma_start3A_499 = arith.constant 5120 : i32
      %dma_start3A_500 = tpu.memref_slice %arg12[%dma_start3A_499] : memref<10240xf32, #tpu.memory_space<vmem>> -> memref<5120xf32, #tpu.memory_space<vmem>>
      %dma_start3A_501 = arith.constant 5120 : i32
      %dma_start3A_502 = tpu.memref_slice %arg9[%dma_start3A_501] : memref<10240xi32, #tpu.memory_space<vmem>> -> memref<5120xi32, #tpu.memory_space<vmem>>
      %dma_start3A_503 = arith.constant 0 : i32
      %dma_start3A_504 = tpu.memref_slice %arg3[%dma_start3A_503] : memref<1000000xf32, #tpu.memory_space<hbm>> -> memref<1000000xf32, #tpu.memory_space<hbm>>
      tpu.enqueue_indirect_dma source(%dma_start3A_504 : memref<1000000xf32, #tpu.memory_space<hbm>>) target(%dma_start3A_500 : memref<5120xf32, #tpu.memory_space<vmem>>) offsets(%dma_start3A_502 : memref<5120xi32, #tpu.memory_space<vmem>>) semaphore(%arg22 : memref<!tpu.dma_semaphore, #tpu.memory_space<semaphore_mem>>)
      %dma_start3A_505 = arith.constant 0 : i32
      %dma_start3A_506 = tpu.memref_slice %arg13[%dma_start3A_505] : memref<10240xf32, #tpu.memory_space<vmem>> -> memref<5120xf32, #tpu.memory_space<vmem>>
      %dma_start3A_507 = arith.constant 0 : i32
      %dma_start3A_508 = tpu.memref_slice %arg10[%dma_start3A_507] : memref<10240xi32, #tpu.memory_space<vmem>> -> memref<5120xi32, #tpu.memory_space<vmem>>
      %dma_start3A_509 = arith.constant 0 : i32
      %dma_start3A_510 = tpu.memref_slice %arg4[%dma_start3A_509] : memref<1000000xf32, #tpu.memory_space<hbm>> -> memref<1000000xf32, #tpu.memory_space<hbm>>
      tpu.enqueue_indirect_dma source(%dma_start3A_510 : memref<1000000xf32, #tpu.memory_space<hbm>>) target(%dma_start3A_506 : memref<5120xf32, #tpu.memory_space<vmem>>) offsets(%dma_start3A_508 : memref<5120xi32, #tpu.memory_space<vmem>>) semaphore(%arg22 : memref<!tpu.dma_semaphore, #tpu.memory_space<semaphore_mem>>)
      %dma_start3A_511 = arith.constant 5120 : i32
      %dma_start3A_512 = tpu.memref_slice %arg13[%dma_start3A_511] : memref<10240xf32, #tpu.memory_space<vmem>> -> memref<5120xf32, #tpu.memory_space<vmem>>
      %dma_start3A_513 = arith.constant 5120 : i32
      %dma_start3A_514 = tpu.memref_slice %arg10[%dma_start3A_513] : memref<10240xi32, #tpu.memory_space<vmem>> -> memref<5120xi32, #tpu.memory_space<vmem>>
      %dma_start3A_515 = arith.constant 0 : i32
      %dma_start3A_516 = tpu.memref_slice %arg4[%dma_start3A_515] : memref<1000000xf32, #tpu.memory_space<hbm>> -> memref<1000000xf32, #tpu.memory_space<hbm>>
      tpu.enqueue_indirect_dma source(%dma_start3A_516 : memref<1000000xf32, #tpu.memory_space<hbm>>) target(%dma_start3A_512 : memref<5120xf32, #tpu.memory_space<vmem>>) offsets(%dma_start3A_514 : memref<5120xi32, #tpu.memory_space<vmem>>) semaphore(%arg22 : memref<!tpu.dma_semaphore, #tpu.memory_space<semaphore_mem>>)
      %dma_start3A_517 = arith.constant 0 : i32
      %dma_start3A_518 = tpu.memref_slice %arg14[%dma_start3A_517] : memref<10240xf32, #tpu.memory_space<vmem>> -> memref<5120xf32, #tpu.memory_space<vmem>>
      %dma_start3A_519 = arith.constant 0 : i32
      %dma_start3A_520 = tpu.memref_slice %arg10[%dma_start3A_519] : memref<10240xi32, #tpu.memory_space<vmem>> -> memref<5120xi32, #tpu.memory_space<vmem>>
      %dma_start3A_521 = arith.constant 0 : i32
      %dma_start3A_522 = tpu.memref_slice %arg5[%dma_start3A_521] : memref<1000000xf32, #tpu.memory_space<hbm>> -> memref<1000000xf32, #tpu.memory_space<hbm>>
      tpu.enqueue_indirect_dma source(%dma_start3A_522 : memref<1000000xf32, #tpu.memory_space<hbm>>) target(%dma_start3A_518 : memref<5120xf32, #tpu.memory_space<vmem>>) offsets(%dma_start3A_520 : memref<5120xi32, #tpu.memory_space<vmem>>) semaphore(%arg22 : memref<!tpu.dma_semaphore, #tpu.memory_space<semaphore_mem>>)
      %dma_start3A_523 = arith.constant 5120 : i32
      %dma_start3A_524 = tpu.memref_slice %arg14[%dma_start3A_523] : memref<10240xf32, #tpu.memory_space<vmem>> -> memref<5120xf32, #tpu.memory_space<vmem>>
      %dma_start3A_525 = arith.constant 5120 : i32
      %dma_start3A_526 = tpu.memref_slice %arg10[%dma_start3A_525] : memref<10240xi32, #tpu.memory_space<vmem>> -> memref<5120xi32, #tpu.memory_space<vmem>>
      %dma_start3A_527 = arith.constant 0 : i32
      %dma_start3A_528 = tpu.memref_slice %arg5[%dma_start3A_527] : memref<1000000xf32, #tpu.memory_space<hbm>> -> memref<1000000xf32, #tpu.memory_space<hbm>>
      tpu.enqueue_indirect_dma source(%dma_start3A_528 : memref<1000000xf32, #tpu.memory_space<hbm>>) target(%dma_start3A_524 : memref<5120xf32, #tpu.memory_space<vmem>>) offsets(%dma_start3A_526 : memref<5120xi32, #tpu.memory_space<vmem>>) semaphore(%arg22 : memref<!tpu.dma_semaphore, #tpu.memory_space<semaphore_mem>>)
      %dma_wait3A_529 = arith.constant 0 : i32
      %dma_wait3A_530 = tpu.memref_slice %arg2[%dma_wait3A_529] : memref<1000000xf32, #tpu.memory_space<hbm>> -> memref<10240xf32, #tpu.memory_space<hbm>>
      %dma_wait3A_531 = arith.constant 0 : i32
      %dma_wait3A_532 = tpu.memref_slice %arg2[%dma_wait3A_531] : memref<1000000xf32, #tpu.memory_space<hbm>> -> memref<10240xf32, #tpu.memory_space<hbm>>
      tpu.wait_dma2 semaphore(%arg25 : memref<!tpu.dma_semaphore, #tpu.memory_space<semaphore_mem>>) src(%dma_wait3A_532 : memref<10240xf32, #tpu.memory_space<hbm>>) dst(%arg17 : memref<10240xf32, #tpu.memory_space<vmem>>)
      %dma_wait3A_533 = arith.constant 0 : i32
      %dma_wait3A_534 = tpu.memref_slice %arg2[%dma_wait3A_533] : memref<1000000xf32, #tpu.memory_space<hbm>> -> memref<10240xf32, #tpu.memory_space<hbm>>
      %dma_wait3A_535 = arith.constant 0 : i32
      %dma_wait3A_536 = tpu.memref_slice %arg2[%dma_wait3A_535] : memref<1000000xf32, #tpu.memory_space<hbm>> -> memref<10240xf32, #tpu.memory_space<hbm>>
      tpu.wait_dma2 semaphore(%arg25 : memref<!tpu.dma_semaphore, #tpu.memory_space<semaphore_mem>>) src(%dma_wait3A_536 : memref<10240xf32, #tpu.memory_space<hbm>>) dst(%arg18 : memref<10240xf32, #tpu.memory_space<vmem>>)
      %dma_wait3A_537 = arith.constant 0 : i32
      %dma_wait3A_538 = tpu.memref_slice %arg2[%dma_wait3A_537] : memref<1000000xf32, #tpu.memory_space<hbm>> -> memref<10240xf32, #tpu.memory_space<hbm>>
      %dma_wait3A_539 = arith.constant 0 : i32
      %dma_wait3A_540 = tpu.memref_slice %arg2[%dma_wait3A_539] : memref<1000000xf32, #tpu.memory_space<hbm>> -> memref<10240xf32, #tpu.memory_space<hbm>>
      tpu.wait_dma2 semaphore(%arg25 : memref<!tpu.dma_semaphore, #tpu.memory_space<semaphore_mem>>) src(%dma_wait3A_540 : memref<10240xf32, #tpu.memory_space<hbm>>) dst(%arg19 : memref<10240xf32, #tpu.memory_space<vmem>>)
      %dma_wait3A_541 = arith.constant 0 : i32
      %dma_wait3A_542 = tpu.memref_slice %arg2[%dma_wait3A_541] : memref<1000000xf32, #tpu.memory_space<hbm>> -> memref<10240xf32, #tpu.memory_space<hbm>>
      %dma_wait3A_543 = arith.constant 0 : i32
      %dma_wait3A_544 = tpu.memref_slice %arg2[%dma_wait3A_543] : memref<1000000xf32, #tpu.memory_space<hbm>> -> memref<10240xf32, #tpu.memory_space<hbm>>
      tpu.wait_dma2 semaphore(%arg25 : memref<!tpu.dma_semaphore, #tpu.memory_space<semaphore_mem>>) src(%dma_wait3A_544 : memref<10240xf32, #tpu.memory_space<hbm>>) dst(%arg20 : memref<10240xf32, #tpu.memory_space<vmem>>)
      %sub3A = arith.constant 1 : i32
      %sub3A_545 = arith.subi %mul3A_456, %sub3A : i32
      %mul3A_546 = arith.constant 10240 : i32
      %mul3A_547 = arith.muli %sub3A_545, %mul3A_546 : i32
      %add3A_548 = arith.addi %mul3A_2, %mul3A_547 : i32
      %add3A_549 = arith.constant 0 : i32
      %add3A_550 = arith.addi %add3A_549, %add3A_548 : i32
      %dma_start3A_551 = tpu.memref_slice %arg8[%add3A_550] : memref<13107200xf32, #tpu.memory_space<hbm>> -> memref<10240xf32, #tpu.memory_space<hbm>>
      %dma_start3A_552 = tpu.memref_slice %arg8[%add3A_550] : memref<13107200xf32, #tpu.memory_space<hbm>> -> memref<10240xf32, #tpu.memory_space<hbm>>
      tpu.enqueue_dma source(%arg17 : memref<10240xf32, #tpu.memory_space<vmem>>) target(%dma_start3A_552 : memref<10240xf32, #tpu.memory_space<hbm>>) target_semaphore(%arg26 : memref<!tpu.dma_semaphore, #tpu.memory_space<semaphore_mem>>)
      %add3A_553 = arith.constant 3276800 : i32
      %add3A_554 = arith.addi %add3A_553, %add3A_548 : i32
      %dma_start3A_555 = tpu.memref_slice %arg8[%add3A_554] : memref<13107200xf32, #tpu.memory_space<hbm>> -> memref<10240xf32, #tpu.memory_space<hbm>>
      %dma_start3A_556 = tpu.memref_slice %arg8[%add3A_554] : memref<13107200xf32, #tpu.memory_space<hbm>> -> memref<10240xf32, #tpu.memory_space<hbm>>
      tpu.enqueue_dma source(%arg18 : memref<10240xf32, #tpu.memory_space<vmem>>) target(%dma_start3A_556 : memref<10240xf32, #tpu.memory_space<hbm>>) target_semaphore(%arg26 : memref<!tpu.dma_semaphore, #tpu.memory_space<semaphore_mem>>)
      %add3A_557 = arith.constant 6553600 : i32
      %add3A_558 = arith.addi %add3A_557, %add3A_548 : i32
      %dma_start3A_559 = tpu.memref_slice %arg8[%add3A_558] : memref<13107200xf32, #tpu.memory_space<hbm>> -> memref<10240xf32, #tpu.memory_space<hbm>>
      %dma_start3A_560 = tpu.memref_slice %arg8[%add3A_558] : memref<13107200xf32, #tpu.memory_space<hbm>> -> memref<10240xf32, #tpu.memory_space<hbm>>
      tpu.enqueue_dma source(%arg19 : memref<10240xf32, #tpu.memory_space<vmem>>) target(%dma_start3A_560 : memref<10240xf32, #tpu.memory_space<hbm>>) target_semaphore(%arg26 : memref<!tpu.dma_semaphore, #tpu.memory_space<semaphore_mem>>)
      %add3A_561 = arith.constant 9830400 : i32
      %add3A_562 = arith.addi %add3A_561, %add3A_548 : i32
      %dma_start3A_563 = tpu.memref_slice %arg8[%add3A_562] : memref<13107200xf32, #tpu.memory_space<hbm>> -> memref<10240xf32, #tpu.memory_space<hbm>>
      %dma_start3A_564 = tpu.memref_slice %arg8[%add3A_562] : memref<13107200xf32, #tpu.memory_space<hbm>> -> memref<10240xf32, #tpu.memory_space<hbm>>
      tpu.enqueue_dma source(%arg20 : memref<10240xf32, #tpu.memory_space<vmem>>) target(%dma_start3A_564 : memref<10240xf32, #tpu.memory_space<hbm>>) target_semaphore(%arg26 : memref<!tpu.dma_semaphore, #tpu.memory_space<semaphore_mem>>)
      %add3A_565 = arith.constant 1 : i32
      %add3A_566 = arith.addi %mul3A_456, %add3A_565 : i32
      %mul3A_567 = arith.constant 10240 : i32
      %mul3A_568 = arith.muli %add3A_566, %mul3A_567 : i32
      %add3A_569 = arith.addi %mul3A_2, %mul3A_568 : i32
      %dma_start3A_570 = tpu.memref_slice %arg6[%add3A_569] : memref<3276800xi32, #tpu.memory_space<hbm>> -> memref<10240xi32, #tpu.memory_space<hbm>>
      %dma_start3A_571 = tpu.memref_slice %arg6[%add3A_569] : memref<3276800xi32, #tpu.memory_space<hbm>> -> memref<10240xi32, #tpu.memory_space<hbm>>
      tpu.enqueue_dma source(%dma_start3A_571 : memref<10240xi32, #tpu.memory_space<hbm>>) target(%arg15 : memref<10240xi32, #tpu.memory_space<vmem>>) target_semaphore(%arg24 : memref<!tpu.dma_semaphore, #tpu.memory_space<semaphore_mem>>)
      %dma_start3A_572 = tpu.memref_slice %arg7[%add3A_569] : memref<3276800xi32, #tpu.memory_space<hbm>> -> memref<10240xi32, #tpu.memory_space<hbm>>
      %dma_start3A_573 = tpu.memref_slice %arg7[%add3A_569] : memref<3276800xi32, #tpu.memory_space<hbm>> -> memref<10240xi32, #tpu.memory_space<hbm>>
      tpu.enqueue_dma source(%dma_start3A_573 : memref<10240xi32, #tpu.memory_space<hbm>>) target(%arg16 : memref<10240xi32, #tpu.memory_space<vmem>>) target_semaphore(%arg24 : memref<!tpu.dma_semaphore, #tpu.memory_space<semaphore_mem>>)
      %add3A_574 = arith.constant 1 : i32
      %add3A_575 = arith.addi %mul3A_456, %add3A_574 : i32
      %dma_wait3A_576 = arith.constant 0 : i32
      %dma_wait3A_577 = tpu.memref_slice %arg6[%dma_wait3A_576] : memref<3276800xi32, #tpu.memory_space<hbm>> -> memref<10240xi32, #tpu.memory_space<hbm>>
      %dma_wait3A_578 = arith.constant 0 : i32
      %dma_wait3A_579 = tpu.memref_slice %arg6[%dma_wait3A_578] : memref<3276800xi32, #tpu.memory_space<hbm>> -> memref<10240xi32, #tpu.memory_space<hbm>>
      tpu.wait_dma2 semaphore(%arg24 : memref<!tpu.dma_semaphore, #tpu.memory_space<semaphore_mem>>) src(%dma_wait3A_579 : memref<10240xi32, #tpu.memory_space<hbm>>) dst(%arg15 : memref<10240xi32, #tpu.memory_space<vmem>>)
      %dma_wait3A_580 = arith.constant 0 : i32
      %dma_wait3A_581 = tpu.memref_slice %arg7[%dma_wait3A_580] : memref<3276800xi32, #tpu.memory_space<hbm>> -> memref<10240xi32, #tpu.memory_space<hbm>>
      %dma_wait3A_582 = arith.constant 0 : i32
      %dma_wait3A_583 = tpu.memref_slice %arg7[%dma_wait3A_582] : memref<3276800xi32, #tpu.memory_space<hbm>> -> memref<10240xi32, #tpu.memory_space<hbm>>
      tpu.wait_dma2 semaphore(%arg24 : memref<!tpu.dma_semaphore, #tpu.memory_space<semaphore_mem>>) src(%dma_wait3A_583 : memref<10240xi32, #tpu.memory_space<hbm>>) dst(%arg16 : memref<10240xi32, #tpu.memory_space<vmem>>)
      %dma_wait3A_584 = arith.constant 0 : i32
      %dma_wait3A_585 = tpu.memref_slice %arg2[%dma_wait3A_584] : memref<1000000xf32, #tpu.memory_space<hbm>> -> memref<10240xf32, #tpu.memory_space<hbm>>
      %dma_wait3A_586 = arith.constant 0 : i32
      %dma_wait3A_587 = tpu.memref_slice %arg2[%dma_wait3A_586] : memref<1000000xf32, #tpu.memory_space<hbm>> -> memref<10240xf32, #tpu.memory_space<hbm>>
      tpu.wait_dma2 semaphore(%arg26 : memref<!tpu.dma_semaphore, #tpu.memory_space<semaphore_mem>>) src(%dma_wait3A_587 : memref<10240xf32, #tpu.memory_space<hbm>>) dst(%arg17 : memref<10240xf32, #tpu.memory_space<vmem>>)
      %dma_wait3A_588 = arith.constant 0 : i32
      %dma_wait3A_589 = tpu.memref_slice %arg2[%dma_wait3A_588] : memref<1000000xf32, #tpu.memory_space<hbm>> -> memref<10240xf32, #tpu.memory_space<hbm>>
      %dma_wait3A_590 = arith.constant 0 : i32
      %dma_wait3A_591 = tpu.memref_slice %arg2[%dma_wait3A_590] : memref<1000000xf32, #tpu.memory_space<hbm>> -> memref<10240xf32, #tpu.memory_space<hbm>>
      tpu.wait_dma2 semaphore(%arg26 : memref<!tpu.dma_semaphore, #tpu.memory_space<semaphore_mem>>) src(%dma_wait3A_591 : memref<10240xf32, #tpu.memory_space<hbm>>) dst(%arg18 : memref<10240xf32, #tpu.memory_space<vmem>>)
      %dma_wait3A_592 = arith.constant 0 : i32
      %dma_wait3A_593 = tpu.memref_slice %arg2[%dma_wait3A_592] : memref<1000000xf32, #tpu.memory_space<hbm>> -> memref<10240xf32, #tpu.memory_space<hbm>>
      %dma_wait3A_594 = arith.constant 0 : i32
      %dma_wait3A_595 = tpu.memref_slice %arg2[%dma_wait3A_594] : memref<1000000xf32, #tpu.memory_space<hbm>> -> memref<10240xf32, #tpu.memory_space<hbm>>
      tpu.wait_dma2 semaphore(%arg26 : memref<!tpu.dma_semaphore, #tpu.memory_space<semaphore_mem>>) src(%dma_wait3A_595 : memref<10240xf32, #tpu.memory_space<hbm>>) dst(%arg19 : memref<10240xf32, #tpu.memory_space<vmem>>)
      %dma_wait3A_596 = arith.constant 0 : i32
      %dma_wait3A_597 = tpu.memref_slice %arg2[%dma_wait3A_596] : memref<1000000xf32, #tpu.memory_space<hbm>> -> memref<10240xf32, #tpu.memory_space<hbm>>
      %dma_wait3A_598 = arith.constant 0 : i32
      %dma_wait3A_599 = tpu.memref_slice %arg2[%dma_wait3A_598] : memref<1000000xf32, #tpu.memory_space<hbm>> -> memref<10240xf32, #tpu.memory_space<hbm>>
      tpu.wait_dma2 semaphore(%arg26 : memref<!tpu.dma_semaphore, #tpu.memory_space<semaphore_mem>>) src(%dma_wait3A_599 : memref<10240xf32, #tpu.memory_space<hbm>>) dst(%arg20 : memref<10240xf32, #tpu.memory_space<vmem>>)
      %dma_start3A_600 = arith.constant 0 : i32
      %dma_start3A_601 = tpu.memref_slice %arg17[%dma_start3A_600] : memref<10240xf32, #tpu.memory_space<vmem>> -> memref<5120xf32, #tpu.memory_space<vmem>>
      %dma_start3A_602 = arith.constant 0 : i32
      %dma_start3A_603 = tpu.memref_slice %arg15[%dma_start3A_602] : memref<10240xi32, #tpu.memory_space<vmem>> -> memref<5120xi32, #tpu.memory_space<vmem>>
      %dma_start3A_604 = arith.constant 0 : i32
      %dma_start3A_605 = tpu.memref_slice %arg2[%dma_start3A_604] : memref<1000000xf32, #tpu.memory_space<hbm>> -> memref<1000000xf32, #tpu.memory_space<hbm>>
      tpu.enqueue_indirect_dma source(%dma_start3A_605 : memref<1000000xf32, #tpu.memory_space<hbm>>) target(%dma_start3A_601 : memref<5120xf32, #tpu.memory_space<vmem>>) offsets(%dma_start3A_603 : memref<5120xi32, #tpu.memory_space<vmem>>) semaphore(%arg25 : memref<!tpu.dma_semaphore, #tpu.memory_space<semaphore_mem>>)
      %dma_start3A_606 = arith.constant 5120 : i32
      %dma_start3A_607 = tpu.memref_slice %arg17[%dma_start3A_606] : memref<10240xf32, #tpu.memory_space<vmem>> -> memref<5120xf32, #tpu.memory_space<vmem>>
      %dma_start3A_608 = arith.constant 5120 : i32
      %dma_start3A_609 = tpu.memref_slice %arg15[%dma_start3A_608] : memref<10240xi32, #tpu.memory_space<vmem>> -> memref<5120xi32, #tpu.memory_space<vmem>>
      %dma_start3A_610 = arith.constant 0 : i32
      %dma_start3A_611 = tpu.memref_slice %arg2[%dma_start3A_610] : memref<1000000xf32, #tpu.memory_space<hbm>> -> memref<1000000xf32, #tpu.memory_space<hbm>>
      tpu.enqueue_indirect_dma source(%dma_start3A_611 : memref<1000000xf32, #tpu.memory_space<hbm>>) target(%dma_start3A_607 : memref<5120xf32, #tpu.memory_space<vmem>>) offsets(%dma_start3A_609 : memref<5120xi32, #tpu.memory_space<vmem>>) semaphore(%arg25 : memref<!tpu.dma_semaphore, #tpu.memory_space<semaphore_mem>>)
      %dma_start3A_612 = arith.constant 0 : i32
      %dma_start3A_613 = tpu.memref_slice %arg18[%dma_start3A_612] : memref<10240xf32, #tpu.memory_space<vmem>> -> memref<5120xf32, #tpu.memory_space<vmem>>
      %dma_start3A_614 = arith.constant 0 : i32
      %dma_start3A_615 = tpu.memref_slice %arg15[%dma_start3A_614] : memref<10240xi32, #tpu.memory_space<vmem>> -> memref<5120xi32, #tpu.memory_space<vmem>>
      %dma_start3A_616 = arith.constant 0 : i32
      %dma_start3A_617 = tpu.memref_slice %arg3[%dma_start3A_616] : memref<1000000xf32, #tpu.memory_space<hbm>> -> memref<1000000xf32, #tpu.memory_space<hbm>>
      tpu.enqueue_indirect_dma source(%dma_start3A_617 : memref<1000000xf32, #tpu.memory_space<hbm>>) target(%dma_start3A_613 : memref<5120xf32, #tpu.memory_space<vmem>>) offsets(%dma_start3A_615 : memref<5120xi32, #tpu.memory_space<vmem>>) semaphore(%arg25 : memref<!tpu.dma_semaphore, #tpu.memory_space<semaphore_mem>>)
      %dma_start3A_618 = arith.constant 5120 : i32
      %dma_start3A_619 = tpu.memref_slice %arg18[%dma_start3A_618] : memref<10240xf32, #tpu.memory_space<vmem>> -> memref<5120xf32, #tpu.memory_space<vmem>>
      %dma_start3A_620 = arith.constant 5120 : i32
      %dma_start3A_621 = tpu.memref_slice %arg15[%dma_start3A_620] : memref<10240xi32, #tpu.memory_space<vmem>> -> memref<5120xi32, #tpu.memory_space<vmem>>
      %dma_start3A_622 = arith.constant 0 : i32
      %dma_start3A_623 = tpu.memref_slice %arg3[%dma_start3A_622] : memref<1000000xf32, #tpu.memory_space<hbm>> -> memref<1000000xf32, #tpu.memory_space<hbm>>
      tpu.enqueue_indirect_dma source(%dma_start3A_623 : memref<1000000xf32, #tpu.memory_space<hbm>>) target(%dma_start3A_619 : memref<5120xf32, #tpu.memory_space<vmem>>) offsets(%dma_start3A_621 : memref<5120xi32, #tpu.memory_space<vmem>>) semaphore(%arg25 : memref<!tpu.dma_semaphore, #tpu.memory_space<semaphore_mem>>)
      %dma_start3A_624 = arith.constant 0 : i32
      %dma_start3A_625 = tpu.memref_slice %arg19[%dma_start3A_624] : memref<10240xf32, #tpu.memory_space<vmem>> -> memref<5120xf32, #tpu.memory_space<vmem>>
      %dma_start3A_626 = arith.constant 0 : i32
      %dma_start3A_627 = tpu.memref_slice %arg16[%dma_start3A_626] : memref<10240xi32, #tpu.memory_space<vmem>> -> memref<5120xi32, #tpu.memory_space<vmem>>
      %dma_start3A_628 = arith.constant 0 : i32
      %dma_start3A_629 = tpu.memref_slice %arg4[%dma_start3A_628] : memref<1000000xf32, #tpu.memory_space<hbm>> -> memref<1000000xf32, #tpu.memory_space<hbm>>
      tpu.enqueue_indirect_dma source(%dma_start3A_629 : memref<1000000xf32, #tpu.memory_space<hbm>>) target(%dma_start3A_625 : memref<5120xf32, #tpu.memory_space<vmem>>) offsets(%dma_start3A_627 : memref<5120xi32, #tpu.memory_space<vmem>>) semaphore(%arg25 : memref<!tpu.dma_semaphore, #tpu.memory_space<semaphore_mem>>)
      %dma_start3A_630 = arith.constant 5120 : i32
      %dma_start3A_631 = tpu.memref_slice %arg19[%dma_start3A_630] : memref<10240xf32, #tpu.memory_space<vmem>> -> memref<5120xf32, #tpu.memory_space<vmem>>
      %dma_start3A_632 = arith.constant 5120 : i32
      %dma_start3A_633 = tpu.memref_slice %arg16[%dma_start3A_632] : memref<10240xi32, #tpu.memory_space<vmem>> -> memref<5120xi32, #tpu.memory_space<vmem>>
      %dma_start3A_634 = arith.constant 0 : i32
      %dma_start3A_635 = tpu.memref_slice %arg4[%dma_start3A_634] : memref<1000000xf32, #tpu.memory_space<hbm>> -> memref<1000000xf32, #tpu.memory_space<hbm>>
      tpu.enqueue_indirect_dma source(%dma_start3A_635 : memref<1000000xf32, #tpu.memory_space<hbm>>) target(%dma_start3A_631 : memref<5120xf32, #tpu.memory_space<vmem>>) offsets(%dma_start3A_633 : memref<5120xi32, #tpu.memory_space<vmem>>) semaphore(%arg25 : memref<!tpu.dma_semaphore, #tpu.memory_space<semaphore_mem>>)
      %dma_start3A_636 = arith.constant 0 : i32
      %dma_start3A_637 = tpu.memref_slice %arg20[%dma_start3A_636] : memref<10240xf32, #tpu.memory_space<vmem>> -> memref<5120xf32, #tpu.memory_space<vmem>>
      %dma_start3A_638 = arith.constant 0 : i32
      %dma_start3A_639 = tpu.memref_slice %arg16[%dma_start3A_638] : memref<10240xi32, #tpu.memory_space<vmem>> -> memref<5120xi32, #tpu.memory_space<vmem>>
      %dma_start3A_640 = arith.constant 0 : i32
      %dma_start3A_641 = tpu.memref_slice %arg5[%dma_start3A_640] : memref<1000000xf32, #tpu.memory_space<hbm>> -> memref<1000000xf32, #tpu.memory_space<hbm>>
      tpu.enqueue_indirect_dma source(%dma_start3A_641 : memref<1000000xf32, #tpu.memory_space<hbm>>) target(%dma_start3A_637 : memref<5120xf32, #tpu.memory_space<vmem>>) offsets(%dma_start3A_639 : memref<5120xi32, #tpu.memory_space<vmem>>) semaphore(%arg25 : memref<!tpu.dma_semaphore, #tpu.memory_space<semaphore_mem>>)
      %dma_start3A_642 = arith.constant 5120 : i32
      %dma_start3A_643 = tpu.memref_slice %arg20[%dma_start3A_642] : memref<10240xf32, #tpu.memory_space<vmem>> -> memref<5120xf32, #tpu.memory_space<vmem>>
      %dma_start3A_644 = arith.constant 5120 : i32
      %dma_start3A_645 = tpu.memref_slice %arg16[%dma_start3A_644] : memref<10240xi32, #tpu.memory_space<vmem>> -> memref<5120xi32, #tpu.memory_space<vmem>>
      %dma_start3A_646 = arith.constant 0 : i32
      %dma_start3A_647 = tpu.memref_slice %arg5[%dma_start3A_646] : memref<1000000xf32, #tpu.memory_space<hbm>> -> memref<1000000xf32, #tpu.memory_space<hbm>>
      tpu.enqueue_indirect_dma source(%dma_start3A_647 : memref<1000000xf32, #tpu.memory_space<hbm>>) target(%dma_start3A_643 : memref<5120xf32, #tpu.memory_space<vmem>>) offsets(%dma_start3A_645 : memref<5120xi32, #tpu.memory_space<vmem>>) semaphore(%arg25 : memref<!tpu.dma_semaphore, #tpu.memory_space<semaphore_mem>>)
      %dma_wait3A_648 = arith.constant 0 : i32
      %dma_wait3A_649 = tpu.memref_slice %arg2[%dma_wait3A_648] : memref<1000000xf32, #tpu.memory_space<hbm>> -> memref<10240xf32, #tpu.memory_space<hbm>>
      %dma_wait3A_650 = arith.constant 0 : i32
      %dma_wait3A_651 = tpu.memref_slice %arg2[%dma_wait3A_650] : memref<1000000xf32, #tpu.memory_space<hbm>> -> memref<10240xf32, #tpu.memory_space<hbm>>
      tpu.wait_dma2 semaphore(%arg22 : memref<!tpu.dma_semaphore, #tpu.memory_space<semaphore_mem>>) src(%dma_wait3A_651 : memref<10240xf32, #tpu.memory_space<hbm>>) dst(%arg11 : memref<10240xf32, #tpu.memory_space<vmem>>)
      %dma_wait3A_652 = arith.constant 0 : i32
      %dma_wait3A_653 = tpu.memref_slice %arg2[%dma_wait3A_652] : memref<1000000xf32, #tpu.memory_space<hbm>> -> memref<10240xf32, #tpu.memory_space<hbm>>
      %dma_wait3A_654 = arith.constant 0 : i32
      %dma_wait3A_655 = tpu.memref_slice %arg2[%dma_wait3A_654] : memref<1000000xf32, #tpu.memory_space<hbm>> -> memref<10240xf32, #tpu.memory_space<hbm>>
      tpu.wait_dma2 semaphore(%arg22 : memref<!tpu.dma_semaphore, #tpu.memory_space<semaphore_mem>>) src(%dma_wait3A_655 : memref<10240xf32, #tpu.memory_space<hbm>>) dst(%arg12 : memref<10240xf32, #tpu.memory_space<vmem>>)
      %dma_wait3A_656 = arith.constant 0 : i32
      %dma_wait3A_657 = tpu.memref_slice %arg2[%dma_wait3A_656] : memref<1000000xf32, #tpu.memory_space<hbm>> -> memref<10240xf32, #tpu.memory_space<hbm>>
      %dma_wait3A_658 = arith.constant 0 : i32
      %dma_wait3A_659 = tpu.memref_slice %arg2[%dma_wait3A_658] : memref<1000000xf32, #tpu.memory_space<hbm>> -> memref<10240xf32, #tpu.memory_space<hbm>>
      tpu.wait_dma2 semaphore(%arg22 : memref<!tpu.dma_semaphore, #tpu.memory_space<semaphore_mem>>) src(%dma_wait3A_659 : memref<10240xf32, #tpu.memory_space<hbm>>) dst(%arg13 : memref<10240xf32, #tpu.memory_space<vmem>>)
      %dma_wait3A_660 = arith.constant 0 : i32
      %dma_wait3A_661 = tpu.memref_slice %arg2[%dma_wait3A_660] : memref<1000000xf32, #tpu.memory_space<hbm>> -> memref<10240xf32, #tpu.memory_space<hbm>>
      %dma_wait3A_662 = arith.constant 0 : i32
      %dma_wait3A_663 = tpu.memref_slice %arg2[%dma_wait3A_662] : memref<1000000xf32, #tpu.memory_space<hbm>> -> memref<10240xf32, #tpu.memory_space<hbm>>
      tpu.wait_dma2 semaphore(%arg22 : memref<!tpu.dma_semaphore, #tpu.memory_space<semaphore_mem>>) src(%dma_wait3A_663 : memref<10240xf32, #tpu.memory_space<hbm>>) dst(%arg14 : memref<10240xf32, #tpu.memory_space<vmem>>)
      %sub3A_664 = arith.constant 1 : i32
      %sub3A_665 = arith.subi %add3A_575, %sub3A_664 : i32
      %mul3A_666 = arith.constant 10240 : i32
      %mul3A_667 = arith.muli %sub3A_665, %mul3A_666 : i32
      %add3A_668 = arith.addi %mul3A_2, %mul3A_667 : i32
      %add3A_669 = arith.constant 0 : i32
      %add3A_670 = arith.addi %add3A_669, %add3A_668 : i32
      %dma_start3A_671 = tpu.memref_slice %arg8[%add3A_670] : memref<13107200xf32, #tpu.memory_space<hbm>> -> memref<10240xf32, #tpu.memory_space<hbm>>
      %dma_start3A_672 = tpu.memref_slice %arg8[%add3A_670] : memref<13107200xf32, #tpu.memory_space<hbm>> -> memref<10240xf32, #tpu.memory_space<hbm>>
      tpu.enqueue_dma source(%arg11 : memref<10240xf32, #tpu.memory_space<vmem>>) target(%dma_start3A_672 : memref<10240xf32, #tpu.memory_space<hbm>>) target_semaphore(%arg23 : memref<!tpu.dma_semaphore, #tpu.memory_space<semaphore_mem>>)
      %add3A_673 = arith.constant 3276800 : i32
      %add3A_674 = arith.addi %add3A_673, %add3A_668 : i32
      %dma_start3A_675 = tpu.memref_slice %arg8[%add3A_674] : memref<13107200xf32, #tpu.memory_space<hbm>> -> memref<10240xf32, #tpu.memory_space<hbm>>
      %dma_start3A_676 = tpu.memref_slice %arg8[%add3A_674] : memref<13107200xf32, #tpu.memory_space<hbm>> -> memref<10240xf32, #tpu.memory_space<hbm>>
      tpu.enqueue_dma source(%arg12 : memref<10240xf32, #tpu.memory_space<vmem>>) target(%dma_start3A_676 : memref<10240xf32, #tpu.memory_space<hbm>>) target_semaphore(%arg23 : memref<!tpu.dma_semaphore, #tpu.memory_space<semaphore_mem>>)
      %add3A_677 = arith.constant 6553600 : i32
      %add3A_678 = arith.addi %add3A_677, %add3A_668 : i32
      %dma_start3A_679 = tpu.memref_slice %arg8[%add3A_678] : memref<13107200xf32, #tpu.memory_space<hbm>> -> memref<10240xf32, #tpu.memory_space<hbm>>
      %dma_start3A_680 = tpu.memref_slice %arg8[%add3A_678] : memref<13107200xf32, #tpu.memory_space<hbm>> -> memref<10240xf32, #tpu.memory_space<hbm>>
      tpu.enqueue_dma source(%arg13 : memref<10240xf32, #tpu.memory_space<vmem>>) target(%dma_start3A_680 : memref<10240xf32, #tpu.memory_space<hbm>>) target_semaphore(%arg23 : memref<!tpu.dma_semaphore, #tpu.memory_space<semaphore_mem>>)
      %add3A_681 = arith.constant 9830400 : i32
      %add3A_682 = arith.addi %add3A_681, %add3A_668 : i32
      %dma_start3A_683 = tpu.memref_slice %arg8[%add3A_682] : memref<13107200xf32, #tpu.memory_space<hbm>> -> memref<10240xf32, #tpu.memory_space<hbm>>
      %dma_start3A_684 = tpu.memref_slice %arg8[%add3A_682] : memref<13107200xf32, #tpu.memory_space<hbm>> -> memref<10240xf32, #tpu.memory_space<hbm>>
      tpu.enqueue_dma source(%arg14 : memref<10240xf32, #tpu.memory_space<vmem>>) target(%dma_start3A_684 : memref<10240xf32, #tpu.memory_space<hbm>>) target_semaphore(%arg23 : memref<!tpu.dma_semaphore, #tpu.memory_space<semaphore_mem>>)
      %add3A_685 = arith.constant 1 : i32
      %add3A_686 = arith.addi %add3A_575, %add3A_685 : i32
      %mul3A_687 = arith.constant 10240 : i32
      %mul3A_688 = arith.muli %add3A_686, %mul3A_687 : i32
      %add3A_689 = arith.addi %mul3A_2, %mul3A_688 : i32
      %dma_start3A_690 = tpu.memref_slice %arg6[%add3A_689] : memref<3276800xi32, #tpu.memory_space<hbm>> -> memref<10240xi32, #tpu.memory_space<hbm>>
      %dma_start3A_691 = tpu.memref_slice %arg6[%add3A_689] : memref<3276800xi32, #tpu.memory_space<hbm>> -> memref<10240xi32, #tpu.memory_space<hbm>>
      tpu.enqueue_dma source(%dma_start3A_691 : memref<10240xi32, #tpu.memory_space<hbm>>) target(%arg9 : memref<10240xi32, #tpu.memory_space<vmem>>) target_semaphore(%arg21 : memref<!tpu.dma_semaphore, #tpu.memory_space<semaphore_mem>>)
      %dma_start3A_692 = tpu.memref_slice %arg7[%add3A_689] : memref<3276800xi32, #tpu.memory_space<hbm>> -> memref<10240xi32, #tpu.memory_space<hbm>>
      %dma_start3A_693 = tpu.memref_slice %arg7[%add3A_689] : memref<3276800xi32, #tpu.memory_space<hbm>> -> memref<10240xi32, #tpu.memory_space<hbm>>
      tpu.enqueue_dma source(%dma_start3A_693 : memref<10240xi32, #tpu.memory_space<hbm>>) target(%arg10 : memref<10240xi32, #tpu.memory_space<vmem>>) target_semaphore(%arg21 : memref<!tpu.dma_semaphore, #tpu.memory_space<semaphore_mem>>)
    }
    %scan3A_169 = arith.constant 3 : i32
    %dma_wait3A_170 = arith.constant 0 : i32
    %dma_wait3A_171 = tpu.memref_slice %arg6[%dma_wait3A_170] : memref<3276800xi32, #tpu.memory_space<hbm>> -> memref<10240xi32, #tpu.memory_space<hbm>>
    %dma_wait3A_172 = arith.constant 0 : i32
    %dma_wait3A_173 = tpu.memref_slice %arg6[%dma_wait3A_172] : memref<3276800xi32, #tpu.memory_space<hbm>> -> memref<10240xi32, #tpu.memory_space<hbm>>
    tpu.wait_dma2 semaphore(%arg21 : memref<!tpu.dma_semaphore, #tpu.memory_space<semaphore_mem>>) src(%dma_wait3A_173 : memref<10240xi32, #tpu.memory_space<hbm>>) dst(%arg9 : memref<10240xi32, #tpu.memory_space<vmem>>)
    %dma_wait3A_174 = arith.constant 0 : i32
    %dma_wait3A_175 = tpu.memref_slice %arg7[%dma_wait3A_174] : memref<3276800xi32, #tpu.memory_space<hbm>> -> memref<10240xi32, #tpu.memory_space<hbm>>
    %dma_wait3A_176 = arith.constant 0 : i32
    %dma_wait3A_177 = tpu.memref_slice %arg7[%dma_wait3A_176] : memref<3276800xi32, #tpu.memory_space<hbm>> -> memref<10240xi32, #tpu.memory_space<hbm>>
    tpu.wait_dma2 semaphore(%arg21 : memref<!tpu.dma_semaphore, #tpu.memory_space<semaphore_mem>>) src(%dma_wait3A_177 : memref<10240xi32, #tpu.memory_space<hbm>>) dst(%arg10 : memref<10240xi32, #tpu.memory_space<vmem>>)
    %dma_wait3A_178 = arith.constant 0 : i32
    %dma_wait3A_179 = tpu.memref_slice %arg2[%dma_wait3A_178] : memref<1000000xf32, #tpu.memory_space<hbm>> -> memref<10240xf32, #tpu.memory_space<hbm>>
    %dma_wait3A_180 = arith.constant 0 : i32
    %dma_wait3A_181 = tpu.memref_slice %arg2[%dma_wait3A_180] : memref<1000000xf32, #tpu.memory_space<hbm>> -> memref<10240xf32, #tpu.memory_space<hbm>>
    tpu.wait_dma2 semaphore(%arg23 : memref<!tpu.dma_semaphore, #tpu.memory_space<semaphore_mem>>) src(%dma_wait3A_181 : memref<10240xf32, #tpu.memory_space<hbm>>) dst(%arg11 : memref<10240xf32, #tpu.memory_space<vmem>>)
    %dma_wait3A_182 = arith.constant 0 : i32
    %dma_wait3A_183 = tpu.memref_slice %arg2[%dma_wait3A_182] : memref<1000000xf32, #tpu.memory_space<hbm>> -> memref<10240xf32, #tpu.memory_space<hbm>>
    %dma_wait3A_184 = arith.constant 0 : i32
    %dma_wait3A_185 = tpu.memref_slice %arg2[%dma_wait3A_184] : memref<1000000xf32, #tpu.memory_space<hbm>> -> memref<10240xf32, #tpu.memory_space<hbm>>
    tpu.wait_dma2 semaphore(%arg23 : memref<!tpu.dma_semaphore, #tpu.memory_space<semaphore_mem>>) src(%dma_wait3A_185 : memref<10240xf32, #tpu.memory_space<hbm>>) dst(%arg12 : memref<10240xf32, #tpu.memory_space<vmem>>)
    %dma_wait3A_186 = arith.constant 0 : i32
    %dma_wait3A_187 = tpu.memref_slice %arg2[%dma_wait3A_186] : memref<1000000xf32, #tpu.memory_space<hbm>> -> memref<10240xf32, #tpu.memory_space<hbm>>
    %dma_wait3A_188 = arith.constant 0 : i32
    %dma_wait3A_189 = tpu.memref_slice %arg2[%dma_wait3A_188] : memref<1000000xf32, #tpu.memory_space<hbm>> -> memref<10240xf32, #tpu.memory_space<hbm>>
    tpu.wait_dma2 semaphore(%arg23 : memref<!tpu.dma_semaphore, #tpu.memory_space<semaphore_mem>>) src(%dma_wait3A_189 : memref<10240xf32, #tpu.memory_space<hbm>>) dst(%arg13 : memref<10240xf32, #tpu.memory_space<vmem>>)
    %dma_wait3A_190 = arith.constant 0 : i32
    %dma_wait3A_191 = tpu.memref_slice %arg2[%dma_wait3A_190] : memref<1000000xf32, #tpu.memory_space<hbm>> -> memref<10240xf32, #tpu.memory_space<hbm>>
    %dma_wait3A_192 = arith.constant 0 : i32
    %dma_wait3A_193 = tpu.memref_slice %arg2[%dma_wait3A_192] : memref<1000000xf32, #tpu.memory_space<hbm>> -> memref<10240xf32, #tpu.memory_space<hbm>>
    tpu.wait_dma2 semaphore(%arg23 : memref<!tpu.dma_semaphore, #tpu.memory_space<semaphore_mem>>) src(%dma_wait3A_193 : memref<10240xf32, #tpu.memory_space<hbm>>) dst(%arg14 : memref<10240xf32, #tpu.memory_space<vmem>>)
    %dma_start3A_194 = arith.constant 0 : i32
    %dma_start3A_195 = tpu.memref_slice %arg11[%dma_start3A_194] : memref<10240xf32, #tpu.memory_space<vmem>> -> memref<5120xf32, #tpu.memory_space<vmem>>
    %dma_start3A_196 = arith.constant 0 : i32
    %dma_start3A_197 = tpu.memref_slice %arg9[%dma_start3A_196] : memref<10240xi32, #tpu.memory_space<vmem>> -> memref<5120xi32, #tpu.memory_space<vmem>>
    %dma_start3A_198 = arith.constant 0 : i32
    %dma_start3A_199 = tpu.memref_slice %arg2[%dma_start3A_198] : memref<1000000xf32, #tpu.memory_space<hbm>> -> memref<1000000xf32, #tpu.memory_space<hbm>>
    tpu.enqueue_indirect_dma source(%dma_start3A_199 : memref<1000000xf32, #tpu.memory_space<hbm>>) target(%dma_start3A_195 : memref<5120xf32, #tpu.memory_space<vmem>>) offsets(%dma_start3A_197 : memref<5120xi32, #tpu.memory_space<vmem>>) semaphore(%arg22 : memref<!tpu.dma_semaphore, #tpu.memory_space<semaphore_mem>>)
    %dma_start3A_200 = arith.constant 5120 : i32
    %dma_start3A_201 = tpu.memref_slice %arg11[%dma_start3A_200] : memref<10240xf32, #tpu.memory_space<vmem>> -> memref<5120xf32, #tpu.memory_space<vmem>>
    %dma_start3A_202 = arith.constant 5120 : i32
    %dma_start3A_203 = tpu.memref_slice %arg9[%dma_start3A_202] : memref<10240xi32, #tpu.memory_space<vmem>> -> memref<5120xi32, #tpu.memory_space<vmem>>
    %dma_start3A_204 = arith.constant 0 : i32
    %dma_start3A_205 = tpu.memref_slice %arg2[%dma_start3A_204] : memref<1000000xf32, #tpu.memory_space<hbm>> -> memref<1000000xf32, #tpu.memory_space<hbm>>
    tpu.enqueue_indirect_dma source(%dma_start3A_205 : memref<1000000xf32, #tpu.memory_space<hbm>>) target(%dma_start3A_201 : memref<5120xf32, #tpu.memory_space<vmem>>) offsets(%dma_start3A_203 : memref<5120xi32, #tpu.memory_space<vmem>>) semaphore(%arg22 : memref<!tpu.dma_semaphore, #tpu.memory_space<semaphore_mem>>)
    %dma_start3A_206 = arith.constant 0 : i32
    %dma_start3A_207 = tpu.memref_slice %arg12[%dma_start3A_206] : memref<10240xf32, #tpu.memory_space<vmem>> -> memref<5120xf32, #tpu.memory_space<vmem>>
    %dma_start3A_208 = arith.constant 0 : i32
    %dma_start3A_209 = tpu.memref_slice %arg9[%dma_start3A_208] : memref<10240xi32, #tpu.memory_space<vmem>> -> memref<5120xi32, #tpu.memory_space<vmem>>
    %dma_start3A_210 = arith.constant 0 : i32
    %dma_start3A_211 = tpu.memref_slice %arg3[%dma_start3A_210] : memref<1000000xf32, #tpu.memory_space<hbm>> -> memref<1000000xf32, #tpu.memory_space<hbm>>
    tpu.enqueue_indirect_dma source(%dma_start3A_211 : memref<1000000xf32, #tpu.memory_space<hbm>>) target(%dma_start3A_207 : memref<5120xf32, #tpu.memory_space<vmem>>) offsets(%dma_start3A_209 : memref<5120xi32, #tpu.memory_space<vmem>>) semaphore(%arg22 : memref<!tpu.dma_semaphore, #tpu.memory_space<semaphore_mem>>)
    %dma_start3A_212 = arith.constant 5120 : i32
    %dma_start3A_213 = tpu.memref_slice %arg12[%dma_start3A_212] : memref<10240xf32, #tpu.memory_space<vmem>> -> memref<5120xf32, #tpu.memory_space<vmem>>
    %dma_start3A_214 = arith.constant 5120 : i32
    %dma_start3A_215 = tpu.memref_slice %arg9[%dma_start3A_214] : memref<10240xi32, #tpu.memory_space<vmem>> -> memref<5120xi32, #tpu.memory_space<vmem>>
    %dma_start3A_216 = arith.constant 0 : i32
    %dma_start3A_217 = tpu.memref_slice %arg3[%dma_start3A_216] : memref<1000000xf32, #tpu.memory_space<hbm>> -> memref<1000000xf32, #tpu.memory_space<hbm>>
    tpu.enqueue_indirect_dma source(%dma_start3A_217 : memref<1000000xf32, #tpu.memory_space<hbm>>) target(%dma_start3A_213 : memref<5120xf32, #tpu.memory_space<vmem>>) offsets(%dma_start3A_215 : memref<5120xi32, #tpu.memory_space<vmem>>) semaphore(%arg22 : memref<!tpu.dma_semaphore, #tpu.memory_space<semaphore_mem>>)
    %dma_start3A_218 = arith.constant 0 : i32
    %dma_start3A_219 = tpu.memref_slice %arg13[%dma_start3A_218] : memref<10240xf32, #tpu.memory_space<vmem>> -> memref<5120xf32, #tpu.memory_space<vmem>>
    %dma_start3A_220 = arith.constant 0 : i32
    %dma_start3A_221 = tpu.memref_slice %arg10[%dma_start3A_220] : memref<10240xi32, #tpu.memory_space<vmem>> -> memref<5120xi32, #tpu.memory_space<vmem>>
    %dma_start3A_222 = arith.constant 0 : i32
    %dma_start3A_223 = tpu.memref_slice %arg4[%dma_start3A_222] : memref<1000000xf32, #tpu.memory_space<hbm>> -> memref<1000000xf32, #tpu.memory_space<hbm>>
    tpu.enqueue_indirect_dma source(%dma_start3A_223 : memref<1000000xf32, #tpu.memory_space<hbm>>) target(%dma_start3A_219 : memref<5120xf32, #tpu.memory_space<vmem>>) offsets(%dma_start3A_221 : memref<5120xi32, #tpu.memory_space<vmem>>) semaphore(%arg22 : memref<!tpu.dma_semaphore, #tpu.memory_space<semaphore_mem>>)
    %dma_start3A_224 = arith.constant 5120 : i32
    %dma_start3A_225 = tpu.memref_slice %arg13[%dma_start3A_224] : memref<10240xf32, #tpu.memory_space<vmem>> -> memref<5120xf32, #tpu.memory_space<vmem>>
    %dma_start3A_226 = arith.constant 5120 : i32
    %dma_start3A_227 = tpu.memref_slice %arg10[%dma_start3A_226] : memref<10240xi32, #tpu.memory_space<vmem>> -> memref<5120xi32, #tpu.memory_space<vmem>>
    %dma_start3A_228 = arith.constant 0 : i32
    %dma_start3A_229 = tpu.memref_slice %arg4[%dma_start3A_228] : memref<1000000xf32, #tpu.memory_space<hbm>> -> memref<1000000xf32, #tpu.memory_space<hbm>>
    tpu.enqueue_indirect_dma source(%dma_start3A_229 : memref<1000000xf32, #tpu.memory_space<hbm>>) target(%dma_start3A_225 : memref<5120xf32, #tpu.memory_space<vmem>>) offsets(%dma_start3A_227 : memref<5120xi32, #tpu.memory_space<vmem>>) semaphore(%arg22 : memref<!tpu.dma_semaphore, #tpu.memory_space<semaphore_mem>>)
    %dma_start3A_230 = arith.constant 0 : i32
    %dma_start3A_231 = tpu.memref_slice %arg14[%dma_start3A_230] : memref<10240xf32, #tpu.memory_space<vmem>> -> memref<5120xf32, #tpu.memory_space<vmem>>
    %dma_start3A_232 = arith.constant 0 : i32
    %dma_start3A_233 = tpu.memref_slice %arg10[%dma_start3A_232] : memref<10240xi32, #tpu.memory_space<vmem>> -> memref<5120xi32, #tpu.memory_space<vmem>>
    %dma_start3A_234 = arith.constant 0 : i32
    %dma_start3A_235 = tpu.memref_slice %arg5[%dma_start3A_234] : memref<1000000xf32, #tpu.memory_space<hbm>> -> memref<1000000xf32, #tpu.memory_space<hbm>>
    tpu.enqueue_indirect_dma source(%dma_start3A_235 : memref<1000000xf32, #tpu.memory_space<hbm>>) target(%dma_start3A_231 : memref<5120xf32, #tpu.memory_space<vmem>>) offsets(%dma_start3A_233 : memref<5120xi32, #tpu.memory_space<vmem>>) semaphore(%arg22 : memref<!tpu.dma_semaphore, #tpu.memory_space<semaphore_mem>>)
    %dma_start3A_236 = arith.constant 5120 : i32
    %dma_start3A_237 = tpu.memref_slice %arg14[%dma_start3A_236] : memref<10240xf32, #tpu.memory_space<vmem>> -> memref<5120xf32, #tpu.memory_space<vmem>>
    %dma_start3A_238 = arith.constant 5120 : i32
    %dma_start3A_239 = tpu.memref_slice %arg10[%dma_start3A_238] : memref<10240xi32, #tpu.memory_space<vmem>> -> memref<5120xi32, #tpu.memory_space<vmem>>
    %dma_start3A_240 = arith.constant 0 : i32
    %dma_start3A_241 = tpu.memref_slice %arg5[%dma_start3A_240] : memref<1000000xf32, #tpu.memory_space<hbm>> -> memref<1000000xf32, #tpu.memory_space<hbm>>
    tpu.enqueue_indirect_dma source(%dma_start3A_241 : memref<1000000xf32, #tpu.memory_space<hbm>>) target(%dma_start3A_237 : memref<5120xf32, #tpu.memory_space<vmem>>) offsets(%dma_start3A_239 : memref<5120xi32, #tpu.memory_space<vmem>>) semaphore(%arg22 : memref<!tpu.dma_semaphore, #tpu.memory_space<semaphore_mem>>)
    %dma_wait3A_242 = arith.constant 0 : i32
    %dma_wait3A_243 = tpu.memref_slice %arg2[%dma_wait3A_242] : memref<1000000xf32, #tpu.memory_space<hbm>> -> memref<10240xf32, #tpu.memory_space<hbm>>
    %dma_wait3A_244 = arith.constant 0 : i32
    %dma_wait3A_245 = tpu.memref_slice %arg2[%dma_wait3A_244] : memref<1000000xf32, #tpu.memory_space<hbm>> -> memref<10240xf32, #tpu.memory_space<hbm>>
    tpu.wait_dma2 semaphore(%arg25 : memref<!tpu.dma_semaphore, #tpu.memory_space<semaphore_mem>>) src(%dma_wait3A_245 : memref<10240xf32, #tpu.memory_space<hbm>>) dst(%arg17 : memref<10240xf32, #tpu.memory_space<vmem>>)
    %dma_wait3A_246 = arith.constant 0 : i32
    %dma_wait3A_247 = tpu.memref_slice %arg2[%dma_wait3A_246] : memref<1000000xf32, #tpu.memory_space<hbm>> -> memref<10240xf32, #tpu.memory_space<hbm>>
    %dma_wait3A_248 = arith.constant 0 : i32
    %dma_wait3A_249 = tpu.memref_slice %arg2[%dma_wait3A_248] : memref<1000000xf32, #tpu.memory_space<hbm>> -> memref<10240xf32, #tpu.memory_space<hbm>>
    tpu.wait_dma2 semaphore(%arg25 : memref<!tpu.dma_semaphore, #tpu.memory_space<semaphore_mem>>) src(%dma_wait3A_249 : memref<10240xf32, #tpu.memory_space<hbm>>) dst(%arg18 : memref<10240xf32, #tpu.memory_space<vmem>>)
    %dma_wait3A_250 = arith.constant 0 : i32
    %dma_wait3A_251 = tpu.memref_slice %arg2[%dma_wait3A_250] : memref<1000000xf32, #tpu.memory_space<hbm>> -> memref<10240xf32, #tpu.memory_space<hbm>>
    %dma_wait3A_252 = arith.constant 0 : i32
    %dma_wait3A_253 = tpu.memref_slice %arg2[%dma_wait3A_252] : memref<1000000xf32, #tpu.memory_space<hbm>> -> memref<10240xf32, #tpu.memory_space<hbm>>
    tpu.wait_dma2 semaphore(%arg25 : memref<!tpu.dma_semaphore, #tpu.memory_space<semaphore_mem>>) src(%dma_wait3A_253 : memref<10240xf32, #tpu.memory_space<hbm>>) dst(%arg19 : memref<10240xf32, #tpu.memory_space<vmem>>)
    %dma_wait3A_254 = arith.constant 0 : i32
    %dma_wait3A_255 = tpu.memref_slice %arg2[%dma_wait3A_254] : memref<1000000xf32, #tpu.memory_space<hbm>> -> memref<10240xf32, #tpu.memory_space<hbm>>
    %dma_wait3A_256 = arith.constant 0 : i32
    %dma_wait3A_257 = tpu.memref_slice %arg2[%dma_wait3A_256] : memref<1000000xf32, #tpu.memory_space<hbm>> -> memref<10240xf32, #tpu.memory_space<hbm>>
    tpu.wait_dma2 semaphore(%arg25 : memref<!tpu.dma_semaphore, #tpu.memory_space<semaphore_mem>>) src(%dma_wait3A_257 : memref<10240xf32, #tpu.memory_space<hbm>>) dst(%arg20 : memref<10240xf32, #tpu.memory_space<vmem>>)
    %add3A_258 = arith.constant 71680 : i32
    %add3A_259 = arith.addi %mul3A_2, %add3A_258 : i32
    %add3A_260 = arith.constant 0 : i32
    %add3A_261 = arith.addi %add3A_260, %add3A_259 : i32
    %dma_start3A_262 = tpu.memref_slice %arg8[%add3A_261] : memref<13107200xf32, #tpu.memory_space<hbm>> -> memref<10240xf32, #tpu.memory_space<hbm>>
    %dma_start3A_263 = tpu.memref_slice %arg8[%add3A_261] : memref<13107200xf32, #tpu.memory_space<hbm>> -> memref<10240xf32, #tpu.memory_space<hbm>>
    tpu.enqueue_dma source(%arg17 : memref<10240xf32, #tpu.memory_space<vmem>>) target(%dma_start3A_263 : memref<10240xf32, #tpu.memory_space<hbm>>) target_semaphore(%arg26 : memref<!tpu.dma_semaphore, #tpu.memory_space<semaphore_mem>>)
    %add3A_264 = arith.constant 3276800 : i32
    %add3A_265 = arith.addi %add3A_264, %add3A_259 : i32
    %dma_start3A_266 = tpu.memref_slice %arg8[%add3A_265] : memref<13107200xf32, #tpu.memory_space<hbm>> -> memref<10240xf32, #tpu.memory_space<hbm>>
    %dma_start3A_267 = tpu.memref_slice %arg8[%add3A_265] : memref<13107200xf32, #tpu.memory_space<hbm>> -> memref<10240xf32, #tpu.memory_space<hbm>>
    tpu.enqueue_dma source(%arg18 : memref<10240xf32, #tpu.memory_space<vmem>>) target(%dma_start3A_267 : memref<10240xf32, #tpu.memory_space<hbm>>) target_semaphore(%arg26 : memref<!tpu.dma_semaphore, #tpu.memory_space<semaphore_mem>>)
    %add3A_268 = arith.constant 6553600 : i32
    %add3A_269 = arith.addi %add3A_268, %add3A_259 : i32
    %dma_start3A_270 = tpu.memref_slice %arg8[%add3A_269] : memref<13107200xf32, #tpu.memory_space<hbm>> -> memref<10240xf32, #tpu.memory_space<hbm>>
    %dma_start3A_271 = tpu.memref_slice %arg8[%add3A_269] : memref<13107200xf32, #tpu.memory_space<hbm>> -> memref<10240xf32, #tpu.memory_space<hbm>>
    tpu.enqueue_dma source(%arg19 : memref<10240xf32, #tpu.memory_space<vmem>>) target(%dma_start3A_271 : memref<10240xf32, #tpu.memory_space<hbm>>) target_semaphore(%arg26 : memref<!tpu.dma_semaphore, #tpu.memory_space<semaphore_mem>>)
    %add3A_272 = arith.constant 9830400 : i32
    %add3A_273 = arith.addi %add3A_272, %add3A_259 : i32
    %dma_start3A_274 = tpu.memref_slice %arg8[%add3A_273] : memref<13107200xf32, #tpu.memory_space<hbm>> -> memref<10240xf32, #tpu.memory_space<hbm>>
    %dma_start3A_275 = tpu.memref_slice %arg8[%add3A_273] : memref<13107200xf32, #tpu.memory_space<hbm>> -> memref<10240xf32, #tpu.memory_space<hbm>>
    tpu.enqueue_dma source(%arg20 : memref<10240xf32, #tpu.memory_space<vmem>>) target(%dma_start3A_275 : memref<10240xf32, #tpu.memory_space<hbm>>) target_semaphore(%arg26 : memref<!tpu.dma_semaphore, #tpu.memory_space<semaphore_mem>>)
    %add3A_276 = arith.constant 92160 : i32
    %add3A_277 = arith.addi %mul3A_2, %add3A_276 : i32
    %dma_start3A_278 = tpu.memref_slice %arg6[%add3A_277] : memref<3276800xi32, #tpu.memory_space<hbm>> -> memref<10240xi32, #tpu.memory_space<hbm>>
    %dma_start3A_279 = tpu.memref_slice %arg6[%add3A_277] : memref<3276800xi32, #tpu.memory_space<hbm>> -> memref<10240xi32, #tpu.memory_space<hbm>>
    tpu.enqueue_dma source(%dma_start3A_279 : memref<10240xi32, #tpu.memory_space<hbm>>) target(%arg15 : memref<10240xi32, #tpu.memory_space<vmem>>) target_semaphore(%arg24 : memref<!tpu.dma_semaphore, #tpu.memory_space<semaphore_mem>>)
    %dma_start3A_280 = tpu.memref_slice %arg7[%add3A_277] : memref<3276800xi32, #tpu.memory_space<hbm>> -> memref<10240xi32, #tpu.memory_space<hbm>>
    %dma_start3A_281 = tpu.memref_slice %arg7[%add3A_277] : memref<3276800xi32, #tpu.memory_space<hbm>> -> memref<10240xi32, #tpu.memory_space<hbm>>
    tpu.enqueue_dma source(%dma_start3A_281 : memref<10240xi32, #tpu.memory_space<hbm>>) target(%arg16 : memref<10240xi32, #tpu.memory_space<vmem>>) target_semaphore(%arg24 : memref<!tpu.dma_semaphore, #tpu.memory_space<semaphore_mem>>)
    %dma_wait3A_282 = arith.constant 0 : i32
    %dma_wait3A_283 = tpu.memref_slice %arg6[%dma_wait3A_282] : memref<3276800xi32, #tpu.memory_space<hbm>> -> memref<10240xi32, #tpu.memory_space<hbm>>
    %dma_wait3A_284 = arith.constant 0 : i32
    %dma_wait3A_285 = tpu.memref_slice %arg6[%dma_wait3A_284] : memref<3276800xi32, #tpu.memory_space<hbm>> -> memref<10240xi32, #tpu.memory_space<hbm>>
    tpu.wait_dma2 semaphore(%arg24 : memref<!tpu.dma_semaphore, #tpu.memory_space<semaphore_mem>>) src(%dma_wait3A_285 : memref<10240xi32, #tpu.memory_space<hbm>>) dst(%arg15 : memref<10240xi32, #tpu.memory_space<vmem>>)
    %dma_wait3A_286 = arith.constant 0 : i32
    %dma_wait3A_287 = tpu.memref_slice %arg7[%dma_wait3A_286] : memref<3276800xi32, #tpu.memory_space<hbm>> -> memref<10240xi32, #tpu.memory_space<hbm>>
    %dma_wait3A_288 = arith.constant 0 : i32
    %dma_wait3A_289 = tpu.memref_slice %arg7[%dma_wait3A_288] : memref<3276800xi32, #tpu.memory_space<hbm>> -> memref<10240xi32, #tpu.memory_space<hbm>>
    tpu.wait_dma2 semaphore(%arg24 : memref<!tpu.dma_semaphore, #tpu.memory_space<semaphore_mem>>) src(%dma_wait3A_289 : memref<10240xi32, #tpu.memory_space<hbm>>) dst(%arg16 : memref<10240xi32, #tpu.memory_space<vmem>>)
    %dma_wait3A_290 = arith.constant 0 : i32
    %dma_wait3A_291 = tpu.memref_slice %arg2[%dma_wait3A_290] : memref<1000000xf32, #tpu.memory_space<hbm>> -> memref<10240xf32, #tpu.memory_space<hbm>>
    %dma_wait3A_292 = arith.constant 0 : i32
    %dma_wait3A_293 = tpu.memref_slice %arg2[%dma_wait3A_292] : memref<1000000xf32, #tpu.memory_space<hbm>> -> memref<10240xf32, #tpu.memory_space<hbm>>
    tpu.wait_dma2 semaphore(%arg26 : memref<!tpu.dma_semaphore, #tpu.memory_space<semaphore_mem>>) src(%dma_wait3A_293 : memref<10240xf32, #tpu.memory_space<hbm>>) dst(%arg17 : memref<10240xf32, #tpu.memory_space<vmem>>)
    %dma_wait3A_294 = arith.constant 0 : i32
    %dma_wait3A_295 = tpu.memref_slice %arg2[%dma_wait3A_294] : memref<1000000xf32, #tpu.memory_space<hbm>> -> memref<10240xf32, #tpu.memory_space<hbm>>
    %dma_wait3A_296 = arith.constant 0 : i32
    %dma_wait3A_297 = tpu.memref_slice %arg2[%dma_wait3A_296] : memref<1000000xf32, #tpu.memory_space<hbm>> -> memref<10240xf32, #tpu.memory_space<hbm>>
    tpu.wait_dma2 semaphore(%arg26 : memref<!tpu.dma_semaphore, #tpu.memory_space<semaphore_mem>>) src(%dma_wait3A_297 : memref<10240xf32, #tpu.memory_space<hbm>>) dst(%arg18 : memref<10240xf32, #tpu.memory_space<vmem>>)
    %dma_wait3A_298 = arith.constant 0 : i32
    %dma_wait3A_299 = tpu.memref_slice %arg2[%dma_wait3A_298] : memref<1000000xf32, #tpu.memory_space<hbm>> -> memref<10240xf32, #tpu.memory_space<hbm>>
    %dma_wait3A_300 = arith.constant 0 : i32
    %dma_wait3A_301 = tpu.memref_slice %arg2[%dma_wait3A_300] : memref<1000000xf32, #tpu.memory_space<hbm>> -> memref<10240xf32, #tpu.memory_space<hbm>>
    tpu.wait_dma2 semaphore(%arg26 : memref<!tpu.dma_semaphore, #tpu.memory_space<semaphore_mem>>) src(%dma_wait3A_301 : memref<10240xf32, #tpu.memory_space<hbm>>) dst(%arg19 : memref<10240xf32, #tpu.memory_space<vmem>>)
    %dma_wait3A_302 = arith.constant 0 : i32
    %dma_wait3A_303 = tpu.memref_slice %arg2[%dma_wait3A_302] : memref<1000000xf32, #tpu.memory_space<hbm>> -> memref<10240xf32, #tpu.memory_space<hbm>>
    %dma_wait3A_304 = arith.constant 0 : i32
    %dma_wait3A_305 = tpu.memref_slice %arg2[%dma_wait3A_304] : memref<1000000xf32, #tpu.memory_space<hbm>> -> memref<10240xf32, #tpu.memory_space<hbm>>
    tpu.wait_dma2 semaphore(%arg26 : memref<!tpu.dma_semaphore, #tpu.memory_space<semaphore_mem>>) src(%dma_wait3A_305 : memref<10240xf32, #tpu.memory_space<hbm>>) dst(%arg20 : memref<10240xf32, #tpu.memory_space<vmem>>)
    %dma_start3A_306 = arith.constant 0 : i32
    %dma_start3A_307 = tpu.memref_slice %arg17[%dma_start3A_306] : memref<10240xf32, #tpu.memory_space<vmem>> -> memref<5120xf32, #tpu.memory_space<vmem>>
    %dma_start3A_308 = arith.constant 0 : i32
    %dma_start3A_309 = tpu.memref_slice %arg15[%dma_start3A_308] : memref<10240xi32, #tpu.memory_space<vmem>> -> memref<5120xi32, #tpu.memory_space<vmem>>
    %dma_start3A_310 = arith.constant 0 : i32
    %dma_start3A_311 = tpu.memref_slice %arg2[%dma_start3A_310] : memref<1000000xf32, #tpu.memory_space<hbm>> -> memref<1000000xf32, #tpu.memory_space<hbm>>
    tpu.enqueue_indirect_dma source(%dma_start3A_311 : memref<1000000xf32, #tpu.memory_space<hbm>>) target(%dma_start3A_307 : memref<5120xf32, #tpu.memory_space<vmem>>) offsets(%dma_start3A_309 : memref<5120xi32, #tpu.memory_space<vmem>>) semaphore(%arg25 : memref<!tpu.dma_semaphore, #tpu.memory_space<semaphore_mem>>)
    %dma_start3A_312 = arith.constant 5120 : i32
    %dma_start3A_313 = tpu.memref_slice %arg17[%dma_start3A_312] : memref<10240xf32, #tpu.memory_space<vmem>> -> memref<5120xf32, #tpu.memory_space<vmem>>
    %dma_start3A_314 = arith.constant 5120 : i32
    %dma_start3A_315 = tpu.memref_slice %arg15[%dma_start3A_314] : memref<10240xi32, #tpu.memory_space<vmem>> -> memref<5120xi32, #tpu.memory_space<vmem>>
    %dma_start3A_316 = arith.constant 0 : i32
    %dma_start3A_317 = tpu.memref_slice %arg2[%dma_start3A_316] : memref<1000000xf32, #tpu.memory_space<hbm>> -> memref<1000000xf32, #tpu.memory_space<hbm>>
    tpu.enqueue_indirect_dma source(%dma_start3A_317 : memref<1000000xf32, #tpu.memory_space<hbm>>) target(%dma_start3A_313 : memref<5120xf32, #tpu.memory_space<vmem>>) offsets(%dma_start3A_315 : memref<5120xi32, #tpu.memory_space<vmem>>) semaphore(%arg25 : memref<!tpu.dma_semaphore, #tpu.memory_space<semaphore_mem>>)
    %dma_start3A_318 = arith.constant 0 : i32
    %dma_start3A_319 = tpu.memref_slice %arg18[%dma_start3A_318] : memref<10240xf32, #tpu.memory_space<vmem>> -> memref<5120xf32, #tpu.memory_space<vmem>>
    %dma_start3A_320 = arith.constant 0 : i32
    %dma_start3A_321 = tpu.memref_slice %arg15[%dma_start3A_320] : memref<10240xi32, #tpu.memory_space<vmem>> -> memref<5120xi32, #tpu.memory_space<vmem>>
    %dma_start3A_322 = arith.constant 0 : i32
    %dma_start3A_323 = tpu.memref_slice %arg3[%dma_start3A_322] : memref<1000000xf32, #tpu.memory_space<hbm>> -> memref<1000000xf32, #tpu.memory_space<hbm>>
    tpu.enqueue_indirect_dma source(%dma_start3A_323 : memref<1000000xf32, #tpu.memory_space<hbm>>) target(%dma_start3A_319 : memref<5120xf32, #tpu.memory_space<vmem>>) offsets(%dma_start3A_321 : memref<5120xi32, #tpu.memory_space<vmem>>) semaphore(%arg25 : memref<!tpu.dma_semaphore, #tpu.memory_space<semaphore_mem>>)
    %dma_start3A_324 = arith.constant 5120 : i32
    %dma_start3A_325 = tpu.memref_slice %arg18[%dma_start3A_324] : memref<10240xf32, #tpu.memory_space<vmem>> -> memref<5120xf32, #tpu.memory_space<vmem>>
    %dma_start3A_326 = arith.constant 5120 : i32
    %dma_start3A_327 = tpu.memref_slice %arg15[%dma_start3A_326] : memref<10240xi32, #tpu.memory_space<vmem>> -> memref<5120xi32, #tpu.memory_space<vmem>>
    %dma_start3A_328 = arith.constant 0 : i32
    %dma_start3A_329 = tpu.memref_slice %arg3[%dma_start3A_328] : memref<1000000xf32, #tpu.memory_space<hbm>> -> memref<1000000xf32, #tpu.memory_space<hbm>>
    tpu.enqueue_indirect_dma source(%dma_start3A_329 : memref<1000000xf32, #tpu.memory_space<hbm>>) target(%dma_start3A_325 : memref<5120xf32, #tpu.memory_space<vmem>>) offsets(%dma_start3A_327 : memref<5120xi32, #tpu.memory_space<vmem>>) semaphore(%arg25 : memref<!tpu.dma_semaphore, #tpu.memory_space<semaphore_mem>>)
    %dma_start3A_330 = arith.constant 0 : i32
    %dma_start3A_331 = tpu.memref_slice %arg19[%dma_start3A_330] : memref<10240xf32, #tpu.memory_space<vmem>> -> memref<5120xf32, #tpu.memory_space<vmem>>
    %dma_start3A_332 = arith.constant 0 : i32
    %dma_start3A_333 = tpu.memref_slice %arg16[%dma_start3A_332] : memref<10240xi32, #tpu.memory_space<vmem>> -> memref<5120xi32, #tpu.memory_space<vmem>>
    %dma_start3A_334 = arith.constant 0 : i32
    %dma_start3A_335 = tpu.memref_slice %arg4[%dma_start3A_334] : memref<1000000xf32, #tpu.memory_space<hbm>> -> memref<1000000xf32, #tpu.memory_space<hbm>>
    tpu.enqueue_indirect_dma source(%dma_start3A_335 : memref<1000000xf32, #tpu.memory_space<hbm>>) target(%dma_start3A_331 : memref<5120xf32, #tpu.memory_space<vmem>>) offsets(%dma_start3A_333 : memref<5120xi32, #tpu.memory_space<vmem>>) semaphore(%arg25 : memref<!tpu.dma_semaphore, #tpu.memory_space<semaphore_mem>>)
    %dma_start3A_336 = arith.constant 5120 : i32
    %dma_start3A_337 = tpu.memref_slice %arg19[%dma_start3A_336] : memref<10240xf32, #tpu.memory_space<vmem>> -> memref<5120xf32, #tpu.memory_space<vmem>>
    %dma_start3A_338 = arith.constant 5120 : i32
    %dma_start3A_339 = tpu.memref_slice %arg16[%dma_start3A_338] : memref<10240xi32, #tpu.memory_space<vmem>> -> memref<5120xi32, #tpu.memory_space<vmem>>
    %dma_start3A_340 = arith.constant 0 : i32
    %dma_start3A_341 = tpu.memref_slice %arg4[%dma_start3A_340] : memref<1000000xf32, #tpu.memory_space<hbm>> -> memref<1000000xf32, #tpu.memory_space<hbm>>
    tpu.enqueue_indirect_dma source(%dma_start3A_341 : memref<1000000xf32, #tpu.memory_space<hbm>>) target(%dma_start3A_337 : memref<5120xf32, #tpu.memory_space<vmem>>) offsets(%dma_start3A_339 : memref<5120xi32, #tpu.memory_space<vmem>>) semaphore(%arg25 : memref<!tpu.dma_semaphore, #tpu.memory_space<semaphore_mem>>)
    %dma_start3A_342 = arith.constant 0 : i32
    %dma_start3A_343 = tpu.memref_slice %arg20[%dma_start3A_342] : memref<10240xf32, #tpu.memory_space<vmem>> -> memref<5120xf32, #tpu.memory_space<vmem>>
    %dma_start3A_344 = arith.constant 0 : i32
    %dma_start3A_345 = tpu.memref_slice %arg16[%dma_start3A_344] : memref<10240xi32, #tpu.memory_space<vmem>> -> memref<5120xi32, #tpu.memory_space<vmem>>
    %dma_start3A_346 = arith.constant 0 : i32
    %dma_start3A_347 = tpu.memref_slice %arg5[%dma_start3A_346] : memref<1000000xf32, #tpu.memory_space<hbm>> -> memref<1000000xf32, #tpu.memory_space<hbm>>
    tpu.enqueue_indirect_dma source(%dma_start3A_347 : memref<1000000xf32, #tpu.memory_space<hbm>>) target(%dma_start3A_343 : memref<5120xf32, #tpu.memory_space<vmem>>) offsets(%dma_start3A_345 : memref<5120xi32, #tpu.memory_space<vmem>>) semaphore(%arg25 : memref<!tpu.dma_semaphore, #tpu.memory_space<semaphore_mem>>)
    %dma_start3A_348 = arith.constant 5120 : i32
    %dma_start3A_349 = tpu.memref_slice %arg20[%dma_start3A_348] : memref<10240xf32, #tpu.memory_space<vmem>> -> memref<5120xf32, #tpu.memory_space<vmem>>
    %dma_start3A_350 = arith.constant 5120 : i32
    %dma_start3A_351 = tpu.memref_slice %arg16[%dma_start3A_350] : memref<10240xi32, #tpu.memory_space<vmem>> -> memref<5120xi32, #tpu.memory_space<vmem>>
    %dma_start3A_352 = arith.constant 0 : i32
    %dma_start3A_353 = tpu.memref_slice %arg5[%dma_start3A_352] : memref<1000000xf32, #tpu.memory_space<hbm>> -> memref<1000000xf32, #tpu.memory_space<hbm>>
    tpu.enqueue_indirect_dma source(%dma_start3A_353 : memref<1000000xf32, #tpu.memory_space<hbm>>) target(%dma_start3A_349 : memref<5120xf32, #tpu.memory_space<vmem>>) offsets(%dma_start3A_351 : memref<5120xi32, #tpu.memory_space<vmem>>) semaphore(%arg25 : memref<!tpu.dma_semaphore, #tpu.memory_space<semaphore_mem>>)
    %dma_wait3A_354 = arith.constant 0 : i32
    %dma_wait3A_355 = tpu.memref_slice %arg2[%dma_wait3A_354] : memref<1000000xf32, #tpu.memory_space<hbm>> -> memref<10240xf32, #tpu.memory_space<hbm>>
    %dma_wait3A_356 = arith.constant 0 : i32
    %dma_wait3A_357 = tpu.memref_slice %arg2[%dma_wait3A_356] : memref<1000000xf32, #tpu.memory_space<hbm>> -> memref<10240xf32, #tpu.memory_space<hbm>>
    tpu.wait_dma2 semaphore(%arg22 : memref<!tpu.dma_semaphore, #tpu.memory_space<semaphore_mem>>) src(%dma_wait3A_357 : memref<10240xf32, #tpu.memory_space<hbm>>) dst(%arg11 : memref<10240xf32, #tpu.memory_space<vmem>>)
    %dma_wait3A_358 = arith.constant 0 : i32
    %dma_wait3A_359 = tpu.memref_slice %arg2[%dma_wait3A_358] : memref<1000000xf32, #tpu.memory_space<hbm>> -> memref<10240xf32, #tpu.memory_space<hbm>>
    %dma_wait3A_360 = arith.constant 0 : i32
    %dma_wait3A_361 = tpu.memref_slice %arg2[%dma_wait3A_360] : memref<1000000xf32, #tpu.memory_space<hbm>> -> memref<10240xf32, #tpu.memory_space<hbm>>
    tpu.wait_dma2 semaphore(%arg22 : memref<!tpu.dma_semaphore, #tpu.memory_space<semaphore_mem>>) src(%dma_wait3A_361 : memref<10240xf32, #tpu.memory_space<hbm>>) dst(%arg12 : memref<10240xf32, #tpu.memory_space<vmem>>)
    %dma_wait3A_362 = arith.constant 0 : i32
    %dma_wait3A_363 = tpu.memref_slice %arg2[%dma_wait3A_362] : memref<1000000xf32, #tpu.memory_space<hbm>> -> memref<10240xf32, #tpu.memory_space<hbm>>
    %dma_wait3A_364 = arith.constant 0 : i32
    %dma_wait3A_365 = tpu.memref_slice %arg2[%dma_wait3A_364] : memref<1000000xf32, #tpu.memory_space<hbm>> -> memref<10240xf32, #tpu.memory_space<hbm>>
    tpu.wait_dma2 semaphore(%arg22 : memref<!tpu.dma_semaphore, #tpu.memory_space<semaphore_mem>>) src(%dma_wait3A_365 : memref<10240xf32, #tpu.memory_space<hbm>>) dst(%arg13 : memref<10240xf32, #tpu.memory_space<vmem>>)
    %dma_wait3A_366 = arith.constant 0 : i32
    %dma_wait3A_367 = tpu.memref_slice %arg2[%dma_wait3A_366] : memref<1000000xf32, #tpu.memory_space<hbm>> -> memref<10240xf32, #tpu.memory_space<hbm>>
    %dma_wait3A_368 = arith.constant 0 : i32
    %dma_wait3A_369 = tpu.memref_slice %arg2[%dma_wait3A_368] : memref<1000000xf32, #tpu.memory_space<hbm>> -> memref<10240xf32, #tpu.memory_space<hbm>>
    tpu.wait_dma2 semaphore(%arg22 : memref<!tpu.dma_semaphore, #tpu.memory_space<semaphore_mem>>) src(%dma_wait3A_369 : memref<10240xf32, #tpu.memory_space<hbm>>) dst(%arg14 : memref<10240xf32, #tpu.memory_space<vmem>>)
    %add3A_370 = arith.constant 81920 : i32
    %add3A_371 = arith.addi %mul3A_2, %add3A_370 : i32
    %add3A_372 = arith.constant 0 : i32
    %add3A_373 = arith.addi %add3A_372, %add3A_371 : i32
    %dma_start3A_374 = tpu.memref_slice %arg8[%add3A_373] : memref<13107200xf32, #tpu.memory_space<hbm>> -> memref<10240xf32, #tpu.memory_space<hbm>>
    %dma_start3A_375 = tpu.memref_slice %arg8[%add3A_373] : memref<13107200xf32, #tpu.memory_space<hbm>> -> memref<10240xf32, #tpu.memory_space<hbm>>
    tpu.enqueue_dma source(%arg11 : memref<10240xf32, #tpu.memory_space<vmem>>) target(%dma_start3A_375 : memref<10240xf32, #tpu.memory_space<hbm>>) target_semaphore(%arg23 : memref<!tpu.dma_semaphore, #tpu.memory_space<semaphore_mem>>)
    %add3A_376 = arith.constant 3276800 : i32
    %add3A_377 = arith.addi %add3A_376, %add3A_371 : i32
    %dma_start3A_378 = tpu.memref_slice %arg8[%add3A_377] : memref<13107200xf32, #tpu.memory_space<hbm>> -> memref<10240xf32, #tpu.memory_space<hbm>>
    %dma_start3A_379 = tpu.memref_slice %arg8[%add3A_377] : memref<13107200xf32, #tpu.memory_space<hbm>> -> memref<10240xf32, #tpu.memory_space<hbm>>
    tpu.enqueue_dma source(%arg12 : memref<10240xf32, #tpu.memory_space<vmem>>) target(%dma_start3A_379 : memref<10240xf32, #tpu.memory_space<hbm>>) target_semaphore(%arg23 : memref<!tpu.dma_semaphore, #tpu.memory_space<semaphore_mem>>)
    %add3A_380 = arith.constant 6553600 : i32
    %add3A_381 = arith.addi %add3A_380, %add3A_371 : i32
    %dma_start3A_382 = tpu.memref_slice %arg8[%add3A_381] : memref<13107200xf32, #tpu.memory_space<hbm>> -> memref<10240xf32, #tpu.memory_space<hbm>>
    %dma_start3A_383 = tpu.memref_slice %arg8[%add3A_381] : memref<13107200xf32, #tpu.memory_space<hbm>> -> memref<10240xf32, #tpu.memory_space<hbm>>
    tpu.enqueue_dma source(%arg13 : memref<10240xf32, #tpu.memory_space<vmem>>) target(%dma_start3A_383 : memref<10240xf32, #tpu.memory_space<hbm>>) target_semaphore(%arg23 : memref<!tpu.dma_semaphore, #tpu.memory_space<semaphore_mem>>)
    %add3A_384 = arith.constant 9830400 : i32
    %add3A_385 = arith.addi %add3A_384, %add3A_371 : i32
    %dma_start3A_386 = tpu.memref_slice %arg8[%add3A_385] : memref<13107200xf32, #tpu.memory_space<hbm>> -> memref<10240xf32, #tpu.memory_space<hbm>>
    %dma_start3A_387 = tpu.memref_slice %arg8[%add3A_385] : memref<13107200xf32, #tpu.memory_space<hbm>> -> memref<10240xf32, #tpu.memory_space<hbm>>
    tpu.enqueue_dma source(%arg14 : memref<10240xf32, #tpu.memory_space<vmem>>) target(%dma_start3A_387 : memref<10240xf32, #tpu.memory_space<hbm>>) target_semaphore(%arg23 : memref<!tpu.dma_semaphore, #tpu.memory_space<semaphore_mem>>)
    %dma_wait3A_388 = arith.constant 0 : i32
    %dma_wait3A_389 = tpu.memref_slice %arg2[%dma_wait3A_388] : memref<1000000xf32, #tpu.memory_space<hbm>> -> memref<10240xf32, #tpu.memory_space<hbm>>
    %dma_wait3A_390 = arith.constant 0 : i32
    %dma_wait3A_391 = tpu.memref_slice %arg2[%dma_wait3A_390] : memref<1000000xf32, #tpu.memory_space<hbm>> -> memref<10240xf32, #tpu.memory_space<hbm>>
    tpu.wait_dma2 semaphore(%arg25 : memref<!tpu.dma_semaphore, #tpu.memory_space<semaphore_mem>>) src(%dma_wait3A_391 : memref<10240xf32, #tpu.memory_space<hbm>>) dst(%arg17 : memref<10240xf32, #tpu.memory_space<vmem>>)
    %dma_wait3A_392 = arith.constant 0 : i32
    %dma_wait3A_393 = tpu.memref_slice %arg2[%dma_wait3A_392] : memref<1000000xf32, #tpu.memory_space<hbm>> -> memref<10240xf32, #tpu.memory_space<hbm>>
    %dma_wait3A_394 = arith.constant 0 : i32
    %dma_wait3A_395 = tpu.memref_slice %arg2[%dma_wait3A_394] : memref<1000000xf32, #tpu.memory_space<hbm>> -> memref<10240xf32, #tpu.memory_space<hbm>>
    tpu.wait_dma2 semaphore(%arg25 : memref<!tpu.dma_semaphore, #tpu.memory_space<semaphore_mem>>) src(%dma_wait3A_395 : memref<10240xf32, #tpu.memory_space<hbm>>) dst(%arg18 : memref<10240xf32, #tpu.memory_space<vmem>>)
    %dma_wait3A_396 = arith.constant 0 : i32
    %dma_wait3A_397 = tpu.memref_slice %arg2[%dma_wait3A_396] : memref<1000000xf32, #tpu.memory_space<hbm>> -> memref<10240xf32, #tpu.memory_space<hbm>>
    %dma_wait3A_398 = arith.constant 0 : i32
    %dma_wait3A_399 = tpu.memref_slice %arg2[%dma_wait3A_398] : memref<1000000xf32, #tpu.memory_space<hbm>> -> memref<10240xf32, #tpu.memory_space<hbm>>
    tpu.wait_dma2 semaphore(%arg25 : memref<!tpu.dma_semaphore, #tpu.memory_space<semaphore_mem>>) src(%dma_wait3A_399 : memref<10240xf32, #tpu.memory_space<hbm>>) dst(%arg19 : memref<10240xf32, #tpu.memory_space<vmem>>)
    %dma_wait3A_400 = arith.constant 0 : i32
    %dma_wait3A_401 = tpu.memref_slice %arg2[%dma_wait3A_400] : memref<1000000xf32, #tpu.memory_space<hbm>> -> memref<10240xf32, #tpu.memory_space<hbm>>
    %dma_wait3A_402 = arith.constant 0 : i32
    %dma_wait3A_403 = tpu.memref_slice %arg2[%dma_wait3A_402] : memref<1000000xf32, #tpu.memory_space<hbm>> -> memref<10240xf32, #tpu.memory_space<hbm>>
    tpu.wait_dma2 semaphore(%arg25 : memref<!tpu.dma_semaphore, #tpu.memory_space<semaphore_mem>>) src(%dma_wait3A_403 : memref<10240xf32, #tpu.memory_space<hbm>>) dst(%arg20 : memref<10240xf32, #tpu.memory_space<vmem>>)
    %add3A_404 = arith.constant 92160 : i32
    %add3A_405 = arith.addi %mul3A_2, %add3A_404 : i32
    %add3A_406 = arith.constant 0 : i32
    %add3A_407 = arith.addi %add3A_406, %add3A_405 : i32
    %dma_start3A_408 = tpu.memref_slice %arg8[%add3A_407] : memref<13107200xf32, #tpu.memory_space<hbm>> -> memref<10240xf32, #tpu.memory_space<hbm>>
    %dma_start3A_409 = tpu.memref_slice %arg8[%add3A_407] : memref<13107200xf32, #tpu.memory_space<hbm>> -> memref<10240xf32, #tpu.memory_space<hbm>>
    tpu.enqueue_dma source(%arg17 : memref<10240xf32, #tpu.memory_space<vmem>>) target(%dma_start3A_409 : memref<10240xf32, #tpu.memory_space<hbm>>) target_semaphore(%arg26 : memref<!tpu.dma_semaphore, #tpu.memory_space<semaphore_mem>>)
    %add3A_410 = arith.constant 3276800 : i32
    %add3A_411 = arith.addi %add3A_410, %add3A_405 : i32
    %dma_start3A_412 = tpu.memref_slice %arg8[%add3A_411] : memref<13107200xf32, #tpu.memory_space<hbm>> -> memref<10240xf32, #tpu.memory_space<hbm>>
    %dma_start3A_413 = tpu.memref_slice %arg8[%add3A_411] : memref<13107200xf32, #tpu.memory_space<hbm>> -> memref<10240xf32, #tpu.memory_space<hbm>>
    tpu.enqueue_dma source(%arg18 : memref<10240xf32, #tpu.memory_space<vmem>>) target(%dma_start3A_413 : memref<10240xf32, #tpu.memory_space<hbm>>) target_semaphore(%arg26 : memref<!tpu.dma_semaphore, #tpu.memory_space<semaphore_mem>>)
    %add3A_414 = arith.constant 6553600 : i32
    %add3A_415 = arith.addi %add3A_414, %add3A_405 : i32
    %dma_start3A_416 = tpu.memref_slice %arg8[%add3A_415] : memref<13107200xf32, #tpu.memory_space<hbm>> -> memref<10240xf32, #tpu.memory_space<hbm>>
    %dma_start3A_417 = tpu.memref_slice %arg8[%add3A_415] : memref<13107200xf32, #tpu.memory_space<hbm>> -> memref<10240xf32, #tpu.memory_space<hbm>>
    tpu.enqueue_dma source(%arg19 : memref<10240xf32, #tpu.memory_space<vmem>>) target(%dma_start3A_417 : memref<10240xf32, #tpu.memory_space<hbm>>) target_semaphore(%arg26 : memref<!tpu.dma_semaphore, #tpu.memory_space<semaphore_mem>>)
    %add3A_418 = arith.constant 9830400 : i32
    %add3A_419 = arith.addi %add3A_418, %add3A_405 : i32
    %dma_start3A_420 = tpu.memref_slice %arg8[%add3A_419] : memref<13107200xf32, #tpu.memory_space<hbm>> -> memref<10240xf32, #tpu.memory_space<hbm>>
    %dma_start3A_421 = tpu.memref_slice %arg8[%add3A_419] : memref<13107200xf32, #tpu.memory_space<hbm>> -> memref<10240xf32, #tpu.memory_space<hbm>>
    tpu.enqueue_dma source(%arg20 : memref<10240xf32, #tpu.memory_space<vmem>>) target(%dma_start3A_421 : memref<10240xf32, #tpu.memory_space<hbm>>) target_semaphore(%arg26 : memref<!tpu.dma_semaphore, #tpu.memory_space<semaphore_mem>>)
    %dma_wait3A_422 = arith.constant 0 : i32
    %dma_wait3A_423 = tpu.memref_slice %arg2[%dma_wait3A_422] : memref<1000000xf32, #tpu.memory_space<hbm>> -> memref<10240xf32, #tpu.memory_space<hbm>>
    %dma_wait3A_424 = arith.constant 0 : i32
    %dma_wait3A_425 = tpu.memref_slice %arg2[%dma_wait3A_424] : memref<1000000xf32, #tpu.memory_space<hbm>> -> memref<10240xf32, #tpu.memory_space<hbm>>
    tpu.wait_dma2 semaphore(%arg23 : memref<!tpu.dma_semaphore, #tpu.memory_space<semaphore_mem>>) src(%dma_wait3A_425 : memref<10240xf32, #tpu.memory_space<hbm>>) dst(%arg11 : memref<10240xf32, #tpu.memory_space<vmem>>)
    %dma_wait3A_426 = arith.constant 0 : i32
    %dma_wait3A_427 = tpu.memref_slice %arg2[%dma_wait3A_426] : memref<1000000xf32, #tpu.memory_space<hbm>> -> memref<10240xf32, #tpu.memory_space<hbm>>
    %dma_wait3A_428 = arith.constant 0 : i32
    %dma_wait3A_429 = tpu.memref_slice %arg2[%dma_wait3A_428] : memref<1000000xf32, #tpu.memory_space<hbm>> -> memref<10240xf32, #tpu.memory_space<hbm>>
    tpu.wait_dma2 semaphore(%arg23 : memref<!tpu.dma_semaphore, #tpu.memory_space<semaphore_mem>>) src(%dma_wait3A_429 : memref<10240xf32, #tpu.memory_space<hbm>>) dst(%arg12 : memref<10240xf32, #tpu.memory_space<vmem>>)
    %dma_wait3A_430 = arith.constant 0 : i32
    %dma_wait3A_431 = tpu.memref_slice %arg2[%dma_wait3A_430] : memref<1000000xf32, #tpu.memory_space<hbm>> -> memref<10240xf32, #tpu.memory_space<hbm>>
    %dma_wait3A_432 = arith.constant 0 : i32
    %dma_wait3A_433 = tpu.memref_slice %arg2[%dma_wait3A_432] : memref<1000000xf32, #tpu.memory_space<hbm>> -> memref<10240xf32, #tpu.memory_space<hbm>>
    tpu.wait_dma2 semaphore(%arg23 : memref<!tpu.dma_semaphore, #tpu.memory_space<semaphore_mem>>) src(%dma_wait3A_433 : memref<10240xf32, #tpu.memory_space<hbm>>) dst(%arg13 : memref<10240xf32, #tpu.memory_space<vmem>>)
    %dma_wait3A_434 = arith.constant 0 : i32
    %dma_wait3A_435 = tpu.memref_slice %arg2[%dma_wait3A_434] : memref<1000000xf32, #tpu.memory_space<hbm>> -> memref<10240xf32, #tpu.memory_space<hbm>>
    %dma_wait3A_436 = arith.constant 0 : i32
    %dma_wait3A_437 = tpu.memref_slice %arg2[%dma_wait3A_436] : memref<1000000xf32, #tpu.memory_space<hbm>> -> memref<10240xf32, #tpu.memory_space<hbm>>
    tpu.wait_dma2 semaphore(%arg23 : memref<!tpu.dma_semaphore, #tpu.memory_space<semaphore_mem>>) src(%dma_wait3A_437 : memref<10240xf32, #tpu.memory_space<hbm>>) dst(%arg14 : memref<10240xf32, #tpu.memory_space<vmem>>)
    %dma_wait3A_438 = arith.constant 0 : i32
    %dma_wait3A_439 = tpu.memref_slice %arg2[%dma_wait3A_438] : memref<1000000xf32, #tpu.memory_space<hbm>> -> memref<10240xf32, #tpu.memory_space<hbm>>
    %dma_wait3A_440 = arith.constant 0 : i32
    %dma_wait3A_441 = tpu.memref_slice %arg2[%dma_wait3A_440] : memref<1000000xf32, #tpu.memory_space<hbm>> -> memref<10240xf32, #tpu.memory_space<hbm>>
    tpu.wait_dma2 semaphore(%arg26 : memref<!tpu.dma_semaphore, #tpu.memory_space<semaphore_mem>>) src(%dma_wait3A_441 : memref<10240xf32, #tpu.memory_space<hbm>>) dst(%arg17 : memref<10240xf32, #tpu.memory_space<vmem>>)
    %dma_wait3A_442 = arith.constant 0 : i32
    %dma_wait3A_443 = tpu.memref_slice %arg2[%dma_wait3A_442] : memref<1000000xf32, #tpu.memory_space<hbm>> -> memref<10240xf32, #tpu.memory_space<hbm>>
    %dma_wait3A_444 = arith.constant 0 : i32
    %dma_wait3A_445 = tpu.memref_slice %arg2[%dma_wait3A_444] : memref<1000000xf32, #tpu.memory_space<hbm>> -> memref<10240xf32, #tpu.memory_space<hbm>>
    tpu.wait_dma2 semaphore(%arg26 : memref<!tpu.dma_semaphore, #tpu.memory_space<semaphore_mem>>) src(%dma_wait3A_445 : memref<10240xf32, #tpu.memory_space<hbm>>) dst(%arg18 : memref<10240xf32, #tpu.memory_space<vmem>>)
    %dma_wait3A_446 = arith.constant 0 : i32
    %dma_wait3A_447 = tpu.memref_slice %arg2[%dma_wait3A_446] : memref<1000000xf32, #tpu.memory_space<hbm>> -> memref<10240xf32, #tpu.memory_space<hbm>>
    %dma_wait3A_448 = arith.constant 0 : i32
    %dma_wait3A_449 = tpu.memref_slice %arg2[%dma_wait3A_448] : memref<1000000xf32, #tpu.memory_space<hbm>> -> memref<10240xf32, #tpu.memory_space<hbm>>
    tpu.wait_dma2 semaphore(%arg26 : memref<!tpu.dma_semaphore, #tpu.memory_space<semaphore_mem>>) src(%dma_wait3A_449 : memref<10240xf32, #tpu.memory_space<hbm>>) dst(%arg19 : memref<10240xf32, #tpu.memory_space<vmem>>)
    %dma_wait3A_450 = arith.constant 0 : i32
    %dma_wait3A_451 = tpu.memref_slice %arg2[%dma_wait3A_450] : memref<1000000xf32, #tpu.memory_space<hbm>> -> memref<10240xf32, #tpu.memory_space<hbm>>
    %dma_wait3A_452 = arith.constant 0 : i32
    %dma_wait3A_453 = tpu.memref_slice %arg2[%dma_wait3A_452] : memref<1000000xf32, #tpu.memory_space<hbm>> -> memref<10240xf32, #tpu.memory_space<hbm>>
    tpu.wait_dma2 semaphore(%arg26 : memref<!tpu.dma_semaphore, #tpu.memory_space<semaphore_mem>>) src(%dma_wait3A_453 : memref<10240xf32, #tpu.memory_space<hbm>>) dst(%arg20 : memref<10240xf32, #tpu.memory_space<vmem>>)
    return
  }
}

</mosaic_0001>

<sc_bundles>
// kernel: kernel.3.cloned.1.call-start
scs
__scs_entry_jumppad:
0x0: {  	(pc) =	sbr.rel $0x88, $3  }
0x1: {  	(tag) =	ssettag $0x0;
	lr =	simm.s32 $0x1  }
0x2: {  	[smem:$0x3F9B] =	sst lr;
	_ =	strace $0xD0000000  }
0x3: {  	_ = 	snop  }
0x4: {  	_ = 	snop  }
0x5: {  	_ = 	snop  }
0x6: {  	_ = 	snop  }
0x7: {  	_ = 	snop  }
__scs_overlays_trampoline_lowered:
0x8: {  	[smem:$0x3FAA] =	sst s0  }
0x9: {  	[smem:$0x3FAB] =	sst s1  }
0xa: {  	[smem:$0x3FAC] =	sst s2  }
0xb: {  	[smem:$0x3FAD] =	sst s3  }
0xc: {  	[smem:$0x3FAE] =	sst s4  }
0xd: {  	[smem:$0x3FAF] =	sst s5  }
0xe: {  	[smem:$0x3FB0] =	sst s6  }
0xf: {  	[smem:$0x3FB1] =	sst s7  }
0x10: {  	[smem:$0x3FB2] =	sst s8  }
0x11: {  	[smem:$0x3FB3] =	sst s9;
	s0 =	simm.s32 @!p0 $0x0  }
0x12: {  	s1 =	sld [smem:$0x3F99];
	s0 =	simm.s32 @p0 $0x1  }
0x13: {  	[smem:$0x3FB4] =	sst s0;
	s0 =	simm.s32 @!p1 $0x0  }
0x14: {  	s2 =	sld [smem:$0x3F98];
	s0 =	simm.s32 @p1 $0x1  }
0x15: {  	[smem:$0x3FB5] =	sst s0;
	s0 =	simm.s32 @!p2 $0x0  }
0x16: {  	s3 =	sld [smem:$0x3FDB];
	s0 =	simm.s32 @p2 $0x1  }
0x17: {  	s4 =	simm.s32 $0x1BF5;
	[smem:$0x3FB7] =	sst s0  }
0x18: {  	s0 =	sld [smem:$0x3F9A];
	_ =	swait.ge [sflag:s4], $0x0  }
0x19: {  	s7 =	sld [smem:$0x3F9B]  }
0x1a: {  	s8 =	sadd.s32 $0xFFFFE003, lr  }
0x1b: {  	s9 =	sadd.s32 $0xFFFFFEF7, lr;
	s5 =	simm.s32 $0xFFFFFFFF;
	p2 =	slt.u32 s8, $0xFFFFF086  }
0x1c: {  	p1 =	slt.u32 s9, $0xF7A;
	s5 =	simm.s32 @!p2 $0x0  }
0x1d: {  	s5 =	simm.s32 @p1 $0x1;
	p0 =	seq.s32 s7, s2  }
0x1e: {  	s7 =	smul.u32 @!p0 $0xF7A, s2;
	p2 =	seq.s32 @!p0 s5, $0x0  }
0x1f: {  	s9 =	smul.u32 $0xF7A, s1;
	s8 =	simm.s32 @!p0 $0x1BF5;
	p2 =	por !p2, p0  }
0x20: {  	[sflag:s8] =	ssyncset.s32 @!p0 $0xFFFFF086;
	s6 =	sadd.s32 @!p0 s3, s7;
	s7 =	simm.s32 @!p0 $0x108  }
0x21: {  	s3 =	sadd.s32 s3, s9;
	s6 =	sadd.s32 @!p0 $0x88, s6;
	s7 =	simm.s32 @p2 $0x1082  }
0x22: {  	[simem:s7], [sflag:s8] =	dma.local @!p0 [hbm:s6], $0xF7A  }
0x23: {  	s9 =	sor.u32 $0xD0000000, s2;
	s6 =	simm.s32 $0x108;
	_ =	swait.ge @!p0 [sflag:s8], $0x0  }
0x24: {  	s3 =	sadd.s32 $0x88, s3;
	s6 =	simm.s32 @!p1 $0x1082;
	[sflag:s4] =	ssyncset.s32 $0xFFFFF086  }
0x25: {  	[simem:s6], [sflag:s4] =	dma.local [hbm:s3], $0xF7A  }
0x26: {  	[smem:$0x3F9B] =	sst s1;
	(tag) =	ssettag s2;
	_ =	strace s9  }
0x27: {  	s1 =	sld [smem:$0x3FAB]  }
0x28: {  	s2 =	sld [smem:$0x3FAC]  }
0x29: {  	s4 =	sld [smem:$0x3FAE]  }
0x2a: {  	p0 =	seq.s32 s5, $0x0;
	s5 =	sld [smem:$0x3FAF]  }
0x2b: {  	s6 =	sld [smem:$0x3FB0]  }
0x2c: {  	s7 =	sld [smem:$0x3FB1]  }
0x2d: {  	s3 =	simm.s32 $0x108;
	s8 =	sld [smem:$0x3FB2]  }
0x2e: {  	s3 =	simm.s32 @!p0 $0x1082;
	s9 =	sld [smem:$0x3FB3]  }
0x2f: {  	lr =	sadd.s32 s0, s3;
	s0 =	sld [smem:$0x3FAA]  }
0x30: {  	s3 =	sld [smem:$0x3FAD]  }
0x31: {  	[smem:$0x3FB6] =	sst s10  }
0x32: {  	s10 =	sld [smem:$0x3FB4];
	_ =	sdelay $0x3  }
0x33: {  	p0 =	seq.s32 s10, $0x1;
	s10 =	sld [smem:$0x3FB6];
	_ =	sdelay $0x3  }
0x34: {  	[smem:$0x3FB6] =	sst s10  }
0x35: {  	s10 =	sld [smem:$0x3FB5];
	_ =	sdelay $0x3  }
0x36: {  	p1 =	seq.s32 s10, $0x1;
	s10 =	sld [smem:$0x3FB6];
	_ =	sdelay $0x3  }
0x37: {  	[smem:$0x3FB6] =	sst s10  }
0x38: {  	s10 =	sld [smem:$0x3FB7]  }
0x39: {  	_ = 	snop;
	(pc) =	sbr.ind lr, $3  }
0x3a: {  	_ = 	snop  }
0x3b: {  	_ = 	snop  }
0x3c: {  	p2 =	seq.s32 s10, $0x1;
	s10 =	sld [smem:$0x3FB6]  }
0x3d: {  	_ =	shalt  }
0x3e: {  	_ =	shalt  }
0x3f: {  	_ =	shalt  }
0x40: {  	_ =	shalt  }
0x41: {  	_ =	shalt  }
0x42: {  	_ =	shalt  }
0x43: {  	_ =	shalt  }
0x44: {  	_ =	shalt  }
0x45: {  	_ =	shalt  }
0x46: {  	_ =	shalt  }
0x47: {  	_ =	shalt  }
0x48: {  	_ =	shalt  }
0x49: {  	_ =	shalt  }
0x4a: {  	_ =	shalt  }
0x4b: {  	_ =	shalt  }
0x4c: {  	_ =	shalt  }
0x4d: {  	_ =	shalt  }
0x4e: {  	_ =	shalt  }
0x4f: {  	_ =	shalt  }
0x50: {  	_ =	shalt  }
0x51: {  	_ =	shalt  }
0x52: {  	_ =	shalt  }
0x53: {  	_ =	shalt  }
0x54: {  	_ =	shalt  }
0x55: {  	_ =	shalt  }
0x56: {  	_ =	shalt  }
0x57: {  	_ =	shalt  }
0x58: {  	_ =	shalt  }
0x59: {  	_ =	shalt  }
0x5a: {  	_ =	shalt  }
0x5b: {  	_ =	shalt  }
0x5c: {  	_ =	shalt  }
0x5d: {  	_ =	shalt  }
0x5e: {  	_ =	shalt  }
0x5f: {  	_ =	shalt  }
0x60: {  	_ =	shalt  }
0x61: {  	_ =	shalt  }
0x62: {  	_ =	shalt  }
0x63: {  	_ =	shalt  }
0x64: {  	_ =	shalt  }
0x65: {  	_ =	shalt  }
0x66: {  	_ =	shalt  }
0x67: {  	_ =	shalt  }
0x68: {  	_ =	shalt  }
0x69: {  	_ =	shalt  }
0x6a: {  	_ =	shalt  }
0x6b: {  	_ =	shalt  }
0x6c: {  	_ =	shalt  }
0x6d: {  	_ =	shalt  }
0x6e: {  	_ =	shalt  }
0x6f: {  	_ =	shalt  }
0x70: {  	_ =	shalt  }
0x71: {  	_ =	shalt  }
0x72: {  	_ =	shalt  }
0x73: {  	_ =	shalt  }
0x74: {  	_ =	shalt  }
0x75: {  	_ =	shalt  }
0x76: {  	_ =	shalt  }
0x77: {  	_ =	shalt  }
0x78: {  	_ =	shalt  }
0x79: {  	_ =	shalt  }
0x7a: {  	_ =	shalt  }
0x7b: {  	_ =	shalt  }
0x7c: {  	_ =	shalt  }
0x7d: {  	_ =	shalt  }
0x7e: {  	_ =	shalt  }
0x7f: {  	_ =	shalt  }
0x80: {  	_ =	shalt  }
0x81: {  	_ =	shalt  }
0x82: {  	_ =	shalt  }
0x83: {  	_ =	shalt  }
0x84: {  	_ =	shalt  }
0x85: {  	_ =	shalt  }
0x86: {  	_ =	shalt  }
0x87: {  	_ =	shalt  }
.Lfunc_end0:
.L_simem_size_0:
called_computation.1_lowered:
.L_overlay_start_0:
0x88: {  	s2 =	sld [smem:$0x3FD9]  }
0x89: {  	s3 =	sld [smem:$0x3FFE];
	_ =	sdelay $0x1  }
0x8a: {  	s1 =	srdreg.scid  }
0x8b: {  	s0 =	sand.u32 $0x1, s1  }
0x8c: {  	s17 =	sshll.u32 s0, $0xA;
	s2 =	sadd.s32 s3, s2  }
0x8d: {  	s2 =	sadd.s32 s2, s17  }
0x8e: {  	[smem:$0x3FC2] =	sst s2  }
0x8f: {  	_ = 	snop  }
0x90: {  	s2 =	sld [smem:$0x3FC7]  }
0x91: {  	s18 =	sld [smem:$0x3FC6]  }
0x92: {  	s4 =	sld [smem:$0x3FC5]  }
0x93: {  	s5 =	sld [smem:$0x3FC4]  }
0x94: {  	s6 =	sld [smem:$0x3FD0];
	(tm) =	ssettm $0x1  }
0x95: {  	s7 =	sld [smem:$0x3FFB];
	_ =	sdelay $0x3  }
0x96: {  	_ =	strace s7  }
0x97: {  	s7 =	sld [smem:$0x3FFC];
	_ =	sdelay $0x3  }
0x98: {  	_ =	strace s7  }
0x99: {  	s7 =	sld [smem:$0x3FFD];
	_ =	sdelay $0x3  }
0x9a: {  	_ =	strace s7  }
0x9b: {  	_ =	strace $0x8FFFFFFF  }
0x9c: {  	s19 =	sld [smem:$0x3FDB];
	_ =	sdelay $0x1  }
0x9d: {  	s8 =	simm.s32 $_scs_section_size  }
0x9e: {  	s9 =	simm.s32 $_size__tile_overlayer_lowered;
	s10 =	simm.s32 $_tile_overlayer_lowered  }
0x9f: {  	s22 =	simm.s32 $0x1BFF;
	s21 =	sshll.u32 s10, $0x1;
	s7 =	sadd.s32 s8, s19  }
0xa0: {  	s11 =	simm.s32 $0x0;
	s20 =	sshll.u32 s9, $0x1;
	s9 =	sadd.s32 s21, s7  }
0xa1: {  	[timem:s11], [sflag:s22] =	dma.local [hbm:s9], s20  }
0xa2: {  	_ =	swait.ge [sflag:s22], s20  }
0xa3: {  	s8 =	ssub.s32 $0x0, s20;
	[sflag:s22] =	ssyncset.done $0x0  }
0xa4: {  	[sflag:s22] =	ssyncadd.s32 s8;
	_ =	sdelay $0x1  }
0xa5: {  	s23 =	simm.s32 $0x1B8B  }
0xa6: {  	_ =	swait.ge [sflag:s23], $0x1  }
0xa7: {  	[sflag:s23] =	ssyncset.done $0x0  }
0xa8: {  	s25 =	simm.s32 $0x1B8E;
	s24 =	sld [smem:$0x3FFE];
	[sflag:s23] =	ssyncadd.s32 $0xFFFFFFFF  }
0xa9: {  	s26 =	simm.s32 $execute0_lowered;
	[smem:$0x3FD2] =	sst s25  }
0xaa: {  	s9 =	sshll.u32 s26, $0x1;
	_ =	strace $0x80000046;
	[dreg:$0x1] =	wrdreg $0xFFFFFFFF  }
0xab: {  	s28 =	simm.s32 $_size_execute0_lowered;
	s7 =	sadd.s32 s7, s9;
	[dreg:$0x0] =	wrdreg $0x0  }
0xac: {  	s9 =	sshll.u32 s28, $0x1;
	[dreg:$0x2] =	wrdreg s7  }
0xad: {  	[dreg:$0x3] =	wrdreg s9  }
0xae: {  	[dreg:$0x4] =	wrdreg $0xC0  }
0xaf: {  	_ =	task [dreg:s11], $0x5FFFF  }
0xb0: {  	[dreg:$0x1] =	wrdreg $0xFFFFFFFF  }
0xb1: {  	[dreg:$0x0] =	wrdreg $0x60  }
0xb2: {  	[dreg:$0x2] =	wrdreg s2  }
0xb3: {  	[dreg:$0x3] =	wrdreg s18  }
0xb4: {  	[dreg:$0x4] =	wrdreg s4  }
0xb5: {  	[dreg:$0x5] =	wrdreg s5  }
0xb6: {  	[dreg:$0x6] =	wrdreg s24  }
0xb7: {  	[dreg:$0x7] =	wrdreg s6  }
0xb8: {  	[dreg:$0x8] =	wrdreg $0x9  }
0xb9: {  	_ =	task.clear_ibuf [dreg:s11], $0x9FFFF;
	_ =	strace $0x90000046  }
0xba: {  	s29 =	simm.s32 $0x9;
	_ =	strace $0x80000048  }
0xbb: {  	_ =	swait.ge [sflag:s29], $0x1  }
0xbc: {  	[sflag:s29] =	ssyncadd.s32 $0xFFFFFFFF  }
0xbd: {  	_ =	strace $0x90000048  }
0xbe: {  	_ =	sfence  }
0xbf: {  	s30 =	sld [smem:$0x0];
	_ =	sdelay $0x2  }
0xc0: {  	s31 =	sshll.u32 s1, $0xD;
	s1 =	sshrl.u32 s1, $0x2  }
0xc1: {  	s3 =	sand.u32 $0x4000, s31;
	s1 =	sadd.s32 s1, s30  }
0xc2: {  	s0 =	sor.u32 s3, s0;
	s1 =	sshll.u32 s1, $0x11  }
0xc3: {  	s0 =	sor.u32 s1, s0  }
0xc4: {  	s0 =	sadd.s32 $0x8F2B, s0  }
0xc5: {  	[sflag:s0] =	ssyncadd.remote.s32 $0x1  }
0xc6: {  	_ =	sfence.sel $0xFFFF  }
0xc7: {  	[dreg:$0x0] =	wrdreg $0xFFFFFFFF;
	(pc) =	sbr.abs _section_cstart, $3  }
0xc8: {  	[dreg:$0x1] =	wrdreg $0xFFFFFFFF  }
0xc9: {  	_ =	task.clear_ibuf [dreg:s11], $0x2FFFF;
	_ =	strace $0x9FFFFFFF  }
0xca: {  	(tm) =	ssettm $0x7FFFFFFF  }
0xcb: {  	_ =	shalt  }
tec
execute0_lowered:
.L_overlay_start_1:
0x0: {  	(tag) =	ssettag $0x1  }
0x1: {  	s1 =	rddreg [dreg:$0x0]  }
0x2: {  	s2 =	rddreg [dreg:$0x1]  }
0x3: {  	s3 =	rddreg [dreg:$0x2]  }
0x4: {  	s4 =	rddreg [dreg:$0x3]  }
0x5: {  	s0 =	srdreg.scid;
	s11 =	stileid.u32  }
0x6: {  	s5 =	rddreg [dreg:$0x4];
	s6 =	sand.u32 $0x1, s0;
	s16 =	sshll.u32 s11, $0x1  }
0x7: {  	s26 =	rddreg [dreg:$0x5];
	s7 =	simm.s32 $0x0;
	s0 =	sor.u32 s6, s16  }
0x8: {  	[smem:$0x7FF] =	sst s7;
	s8 =	smul.u32 $0x19000, s0  }
0x9: {  	s30 =	simm.s32 $0x16800;
	s11 =	smul.u32 $0x32000, s11;
	_ =	strace $0x80000047  }
0xa: {  	s9 =	ssub.s32 $0x2, s6;
	s0 =	sadd.s32 $0x1A00, s5;
	s8 =	sshrl.u32 s8, $0x3  }
0xb: {  	s6 =	smul.u32 $0x19000, s6;
	s5 =	sadd.s32 $0x65A00, s5;
	s12 =	sadd.s32 s0, s8  }
0xc: {  	s10 =	sshrl.u32 s9, $0x1;
	s18 =	sadd.s32 s5, s8;
	[dreg:$0x12] =	wrdreg s12  }
0xd: {  	s17 =	sadd.s32 $0x500, s8;
	s14 =	sadd.s32 s26, s8;
	[dreg:$0x13] =	wrdreg s18  }
0xe: {  	s9 =	ssub.s32 s9, s10;
	s19 =	sadd.s32 s0, s17;
	[dreg:$0x16] =	wrdreg s14  }
0xf: {  	s6 =	sadd.s32 s6, s11;
	s10 =	sadd.s32 s5, s17;
	[dreg:$0x14] =	wrdreg s19  }
0x10: {  	s22 =	sadd.s32 $0xA000, s6;
	s20 =	sadd.s32 $0x64000, s14;
	[dreg:$0x15] =	wrdreg s10  }
0x11: {  	s13 =	sadd.s32 $0x7800, s6;
	s21 =	sadd.s32 $0xC8000, s14;
	[dreg:$0x17] =	wrdreg s20  }
0x12: {  	s24 =	sadd.s32 $0xA00, s8;
	s23 =	sadd.s32 $0x12C000, s14;
	[dreg:$0x18] =	wrdreg s21  }
0x13: {  	s15 =	sadd.s32 $0x962800, s6;
	s25 =	sadd.s32 s0, s24;
	[dreg:$0x19] =	wrdreg s23  }
0x14: {  	s29 =	sshrl.u32 s13, $0x3;
	s11 =	sadd.s32 s5, s24;
	[dreg:$0x1a] =	wrdreg s25  }
0x15: {  	s16 =	sadd.s32 $0x642800, s6;
	s31 =	sadd.s32 s29, s5;
	[dreg:$0x1b] =	wrdreg s11  }
0x16: {  	s18 =	sshrl.u32 s16, $0x3;
	s16 =	sadd.s32 $0xCA300, s14;
	[dreg:$0x9] =	wrdreg s31  }
0x17: {  	s8 =	sadd.s32 $0x2D00, s8;
	s11 =	sadd.s32 s29, s0;
	[dreg:$0x1e] =	wrdreg s16  }
0x18: {  	s12 =	sadd.s32 $0x2800, s6;
	s19 =	sadd.s32 s18, s26;
	[dreg:$0xa] =	wrdreg s11  }
0x19: {  	s10 =	sshrl.u32 s22, $0x3;
	s31 =	sadd.s32 $0x2300, s14;
	[dreg:$0xd] =	wrdreg s19  }
0x1a: {  	s13 =	sshrl.u32 s12, $0x3;
	s18 =	sadd.s32 s26, s8;
	[dreg:$0x1c] =	wrdreg s31  }
0x1b: {  	s20 =	sadd.s32 $0x322800, s6;
	s28 =	sadd.s32 s10, s5;
	[smem:$0x7F3] =	sst s18  }
0x1c: {  	s22 =	sadd.s32 $0x965000, s6;
	s10 =	sadd.s32 s10, s0;
	[dreg:$0x7] =	wrdreg s28  }
0x1d: {  	s11 =	sshrl.u32 s15, $0x3;
	s15 =	sadd.s32 $0x66300, s14;
	[dreg:$0x8] =	wrdreg s10  }
0x1e: {  	s23 =	sadd.s32 $0x645000, s6;
	s0 =	sadd.s32 s0, s8;
	[dreg:$0x1d] =	wrdreg s15  }
0x1f: {  	s29 =	sadd.s32 $0x325000, s6;
	s19 =	smax.u32 s9, $0x1;
	[dreg:$0x1f] =	wrdreg s0  }
0x20: {  	s21 =	sshrl.u32 s20, $0x3;
	s20 =	sadd.s32 $0x5000, s6;
	[smem:$0x7F4] =	sst s19  }
0x21: {  	s25 =	sshrl.u32 s23, $0x3;
	s23 =	sadd.s32 $0x66800, s14;
	[smem:$0x7F5] =	sst s20  }
0x22: {  	s12 =	simm.s32 $0x1B800;
	s31 =	sadd.s32 $0x12ED00, s14;
	[smem:$0x7F8] =	sst s23  }
0x23: {  	s16 =	simm.s32 $0x3;
	s10 =	sadd.s32 s13, s26;
	[smem:$0x7FD] =	sst s31  }
0x24: {  	s9 =	simm.s32 $0x2800;
	s17 =	sadd.s32 s11, s26;
	[dreg:$0xb] =	wrdreg s10  }
0x25: {  	s6 =	simm.s32 $0x2;
	s28 =	sadd.s32 s25, s26;
	[dreg:$0xc] =	wrdreg s17  }
0x26: {  	s11 =	sshrl.u32 s22, $0x3;
	s22 =	sadd.s32 $0x2800, s14;
	[dreg:$0x10] =	wrdreg s28  }
0x27: {  	s18 =	simm.s32 $0x5;
	s25 =	sadd.s32 $0x12E800, s14;
	[smem:$0x7F7] =	sst s22  }
0x28: {  	s13 =	sshrl.u32 s29, $0x3;
	s29 =	sadd.s32 $0xCAD00, s14;
	[smem:$0x7FA] =	sst s25  }
0x29: {  	s0 =	simm.s32 $0x19000;
	s10 =	sadd.s32 s21, s26;
	[smem:$0x7FC] =	sst s29  }
0x2a: {  	s15 =	simm.s32 $0x0;
	s24 =	sadd.s32 s11, s26;
	[dreg:$0xe] =	wrdreg s10  }
0x2b: {  	s17 =	sadd.s32 s5, s8;
	s21 =	sadd.s32 $0x12E300, s14;
	[dreg:$0xf] =	wrdreg s24  }
0x2c: {  	s28 =	sadd.s32 $0x66D00, s14;
	s11 =	simm.s32 $0x11800;
	[smem:$0x7F2] =	sst s17  }
0x2d: {  	s5 =	simm.s32 $0x12C00;
	s10 =	sadd.s32 s13, s26;
	[smem:$0x7F6] =	sst s21  }
0x2e: {  	s24 =	sadd.s32 $0xCA800, s14;
	[smem:$0x7FB] =	sst s28;
	s13 =	simm.s32 $0x1  }
0x2f: {  	s14 =	simm.s32 $0x1400;
	s21 =	simm.s32 $0x6;
	[dreg:$0x11] =	wrdreg s10  }
0x30: {  	[smem:$0x7F9] =	sst s24;
	s10 =	simm.s32 $0xF000;
	s24 =	simm.s32 $0x4  }
.LBB2_1:
0x31: {  	[smem:$0x7F1] =	sst s15  }
0x32: {  	s8 =	rddreg [dreg:$0x12]  }
0x33: {  	[tilespmem:s7], [sflag:$0x1] =	stream.linear.gather [hbm4b:s8+s7], $0x2800, $0x38;
	[tilespmem:$0x1E000] =	vst v63  }
0x34: {  	s19 =	rddreg [dreg:$0x13]  }
0x35: {  	[tilespmem:s9], [sflag:$0x1] =	stream.linear.gather [hbm4b:s19+s7], $0x2800, $0x38;
	[tilespmem:$0x1E000] =	vst v63  }
0x36: {  	s20 =	rddreg [dreg:$0x14]  }
0x37: {  	[tilespmem:s10], [sflag:$0x4] =	stream.linear.gather [hbm4b:s20+s7], $0x2800, $0x38;
	[tilespmem:$0x1E000] =	vst v63  }
0x38: {  	s22 =	rddreg [dreg:$0x15]  }
0x39: {  	[tilespmem:s11], [sflag:$0x4] =	stream.linear.gather [hbm4b:s22+s7], $0x2800, $0x38;
	[tilespmem:$0x1E000] =	vst v63  }
0x3a: {  	_ =	swait.ge [sflag:s13], $0x2800  }
0x3b: {  	[sflag:s13] =	ssyncset.done $0x0  }
0x3c: {  	[sflag:s13] =	ssyncadd.s32 $0xFFFFD800  }
0x3d: {  	_ =	swait.ge [sflag:s13], $0x2800  }
0x3e: {  	[sflag:s13] =	ssyncset.done $0x0  }
0x3f: {  	s23 =	simm.s32 $0x5000;
	[sflag:s13] =	ssyncadd.s32 $0xFFFFD800  }
0x40: {  	[tilespmem:s23], [sflag:$0x2] =	stream.indirect.gather [hbm4b:s1+s14], $0x1, s7, s14, $0xb8;
	[tilespmem:$0x1E000] =	vst v63  }
0x41: {  	s19 =	simm.s32 $0x6400  }
0x42: {  	[tilespmem:s19], [sflag:$0x2] =	stream.indirect.gather [hbm4b:s1+s14], $0x1, s14, s14, $0xb8;
	[tilespmem:$0x1E000] =	vst v63  }
0x43: {  	s25 =	simm.s32 $0x7800  }
0x44: {  	[tilespmem:s25], [sflag:$0x2] =	stream.indirect.gather [hbm4b:s2+s14], $0x1, s7, s14, $0xb8;
	[tilespmem:$0x1E000] =	vst v63  }
0x45: {  	s23 =	simm.s32 $0x8C00  }
0x46: {  	[tilespmem:s23], [sflag:$0x2] =	stream.indirect.gather [hbm4b:s2+s14], $0x1, s14, s14, $0xb8;
	[tilespmem:$0x1E000] =	vst v63  }
0x47: {  	s28 =	simm.s32 $0xA000  }
0x48: {  	[tilespmem:s28], [sflag:$0x2] =	stream.indirect.gather [hbm4b:s3+s14], $0x1, s9, s14, $0xb8;
	[tilespmem:$0x1E000] =	vst v63  }
0x49: {  	s29 =	simm.s32 $0xB400;
	s25 =	simm.s32 $0x3C00  }
0x4a: {  	[tilespmem:s29], [sflag:$0x2] =	stream.indirect.gather [hbm4b:s3+s14], $0x1, s25, s14, $0xb8;
	[tilespmem:$0x1E000] =	vst v63  }
0x4b: {  	s15 =	simm.s32 $0xC800  }
0x4c: {  	[tilespmem:s15], [sflag:$0x2] =	stream.indirect.gather [hbm4b:s4+s14], $0x1, s9, s14, $0xb8;
	[tilespmem:$0x1E000] =	vst v63  }
0x4d: {  	s31 =	simm.s32 $0xDC00  }
0x4e: {  	[tilespmem:s31], [sflag:$0x2] =	stream.indirect.gather [hbm4b:s4+s14], $0x1, s25, s14, $0xb8;
	[tilespmem:$0x1E000] =	vst v63  }
0x4f: {  	_ =	swait.ge [sflag:s24], $0x2800  }
0x50: {  	[sflag:s24] =	ssyncset.done $0x0  }
0x51: {  	[sflag:s24] =	ssyncadd.s32 $0xFFFFD800  }
0x52: {  	_ =	swait.ge [sflag:s24], $0x2800  }
0x53: {  	[sflag:s24] =	ssyncset.done $0x0  }
0x54: {  	s28 =	simm.s32 $0x14000;
	[sflag:s24] =	ssyncadd.s32 $0xFFFFD800  }
0x55: {  	[tilespmem:s28], [sflag:$0x5] =	stream.indirect.gather [hbm4b:s1+s14], $0x1, s10, s14, $0xb8;
	[tilespmem:$0x1E000] =	vst v63  }
0x56: {  	s8 =	simm.s32 $0x15400;
	s28 =	simm.s32 $0x10400  }
0x57: {  	[tilespmem:s8], [sflag:$0x5] =	stream.indirect.gather [hbm4b:s1+s14], $0x1, s28, s14, $0xb8;
	[tilespmem:$0x1E000] =	vst v63  }
0x58: {  	_ = 	snop  }
0x59: {  	[tilespmem:s30], [sflag:$0x5] =	stream.indirect.gather [hbm4b:s2+s14], $0x1, s10, s14, $0xb8;
	[tilespmem:$0x1E000] =	vst v63  }
0x5a: {  	s8 =	simm.s32 $0x17C00  }
0x5b: {  	[tilespmem:s8], [sflag:$0x5] =	stream.indirect.gather [hbm4b:s2+s14], $0x1, s28, s14, $0xb8;
	[tilespmem:$0x1E000] =	vst v63  }
0x5c: {  	_ = 	snop  }
0x5d: {  	[tilespmem:s0], [sflag:$0x5] =	stream.indirect.gather [hbm4b:s3+s14], $0x1, s11, s14, $0xb8;
	[tilespmem:$0x1E000] =	vst v63  }
0x5e: {  	s8 =	simm.s32 $0x1A400  }
0x5f: {  	[tilespmem:s8], [sflag:$0x5] =	stream.indirect.gather [hbm4b:s3+s14], $0x1, s5, s14, $0xb8;
	[tilespmem:$0x1E000] =	vst v63  }
0x60: {  	_ = 	snop  }
0x61: {  	[tilespmem:s12], [sflag:$0x5] =	stream.indirect.gather [hbm4b:s4+s14], $0x1, s11, s14, $0xb8;
	[tilespmem:$0x1E000] =	vst v63  }
0x62: {  	s8 =	simm.s32 $0x1CC00  }
0x63: {  	[tilespmem:s8], [sflag:$0x5] =	stream.indirect.gather [hbm4b:s4+s14], $0x1, s5, s14, $0xb8;
	[tilespmem:$0x1E000] =	vst v63  }
0x64: {  	_ =	swait.ge [sflag:s6], $0x2800  }
0x65: {  	[sflag:s6] =	ssyncset.done $0x0  }
0x66: {  	[sflag:s6] =	ssyncadd.s32 $0xFFFFD800  }
0x67: {  	_ =	swait.ge [sflag:s6], $0x2800  }
0x68: {  	[sflag:s6] =	ssyncset.done $0x0  }
0x69: {  	[sflag:s6] =	ssyncadd.s32 $0xFFFFD800  }
0x6a: {  	_ =	swait.ge [sflag:s6], $0x2800  }
0x6b: {  	[sflag:s6] =	ssyncset.done $0x0  }
0x6c: {  	[sflag:s6] =	ssyncadd.s32 $0xFFFFD800  }
0x6d: {  	_ =	swait.ge [sflag:s6], $0x2800  }
0x6e: {  	[sflag:s6] =	ssyncset.done $0x0  }
0x6f: {  	s22 =	simm.s32 $0x5000;
	s8 =	rddreg [dreg:$0x16];
	[sflag:s6] =	ssyncadd.s32 $0xFFFFD800  }
0x70: {  	[hbm4b:s8+s7] =	stream.linear.scatter [tilespmem:s22], [sflag:$0x3], $0x2800, $0x38;
	[tilespmem:$0x1E000] =	vst v63  }
0x71: {  	s20 =	simm.s32 $0x7800;
	s8 =	rddreg [dreg:$0x17]  }
0x72: {  	[hbm4b:s8+s7] =	stream.linear.scatter [tilespmem:s20], [sflag:$0x3], $0x2800, $0x38;
	[tilespmem:$0x1E000] =	vst v63  }
0x73: {  	s17 =	simm.s32 $0xA000;
	s8 =	rddreg [dreg:$0x18]  }
0x74: {  	[hbm4b:s8+s7] =	stream.linear.scatter [tilespmem:s17], [sflag:$0x3], $0x2800, $0x38;
	[tilespmem:$0x1E000] =	vst v63  }
0x75: {  	s15 =	simm.s32 $0xC800;
	s8 =	rddreg [dreg:$0x19]  }
0x76: {  	[hbm4b:s8+s7] =	stream.linear.scatter [tilespmem:s15], [sflag:$0x3], $0x2800, $0x38;
	[tilespmem:$0x1E000] =	vst v63  }
0x77: {  	s8 =	rddreg [dreg:$0x1a]  }
0x78: {  	[tilespmem:s7], [sflag:$0x1] =	stream.linear.gather [hbm4b:s8+s7], $0x2800, $0x38;
	[tilespmem:$0x1E000] =	vst v63  }
0x79: {  	s8 =	rddreg [dreg:$0x1b]  }
0x7a: {  	[tilespmem:s9], [sflag:$0x1] =	stream.linear.gather [hbm4b:s8+s7], $0x2800, $0x38;
	[tilespmem:$0x1E000] =	vst v63  }
0x7b: {  	_ =	swait.ge [sflag:s13], $0x2800  }
0x7c: {  	[sflag:s13] =	ssyncset.done $0x0  }
0x7d: {  	[sflag:s13] =	ssyncadd.s32 $0xFFFFD800  }
0x7e: {  	_ =	swait.ge [sflag:s13], $0x2800  }
0x7f: {  	[sflag:s13] =	ssyncset.done $0x0  }
0x80: {  	[sflag:s13] =	ssyncadd.s32 $0xFFFFD800  }
0x81: {  	_ =	swait.ge [sflag:s16], $0x2800  }
0x82: {  	[sflag:s16] =	ssyncset.done $0x0  }
0x83: {  	[sflag:s16] =	ssyncadd.s32 $0xFFFFD800  }
0x84: {  	_ =	swait.ge [sflag:s16], $0x2800  }
0x85: {  	[sflag:s16] =	ssyncset.done $0x0  }
0x86: {  	[sflag:s16] =	ssyncadd.s32 $0xFFFFD800  }
0x87: {  	_ =	swait.ge [sflag:s16], $0x2800  }
0x88: {  	[sflag:s16] =	ssyncset.done $0x0  }
0x89: {  	[sflag:s16] =	ssyncadd.s32 $0xFFFFD800  }
0x8a: {  	_ =	swait.ge [sflag:s16], $0x2800  }
0x8b: {  	[sflag:s16] =	ssyncset.done $0x0  }
0x8c: {  	s22 =	simm.s32 $0x5000;
	[sflag:s16] =	ssyncadd.s32 $0xFFFFD800  }
0x8d: {  	[tilespmem:s22], [sflag:$0x2] =	stream.indirect.gather [hbm4b:s1+s14], $0x1, s7, s14, $0xb8;
	[tilespmem:$0x1E000] =	vst v63  }
0x8e: {  	_ = 	snop  }
0x8f: {  	[tilespmem:s19], [sflag:$0x2] =	stream.indirect.gather [hbm4b:s1+s14], $0x1, s14, s14, $0xb8;
	[tilespmem:$0x1E000] =	vst v63  }
0x90: {  	s20 =	simm.s32 $0x7800  }
0x91: {  	[tilespmem:s20], [sflag:$0x2] =	stream.indirect.gather [hbm4b:s2+s14], $0x1, s7, s14, $0xb8;
	[tilespmem:$0x1E000] =	vst v63  }
0x92: {  	_ = 	snop  }
0x93: {  	[tilespmem:s23], [sflag:$0x2] =	stream.indirect.gather [hbm4b:s2+s14], $0x1, s14, s14, $0xb8;
	[tilespmem:$0x1E000] =	vst v63  }
0x94: {  	s17 =	simm.s32 $0xA000  }
0x95: {  	[tilespmem:s17], [sflag:$0x2] =	stream.indirect.gather [hbm4b:s3+s14], $0x1, s9, s14, $0xb8;
	[tilespmem:$0x1E000] =	vst v63  }
0x96: {  	_ = 	snop  }
0x97: {  	[tilespmem:s29], [sflag:$0x2] =	stream.indirect.gather [hbm4b:s3+s14], $0x1, s25, s14, $0xb8;
	[tilespmem:$0x1E000] =	vst v63  }
0x98: {  	s15 =	simm.s32 $0xC800  }
0x99: {  	[tilespmem:s15], [sflag:$0x2] =	stream.indirect.gather [hbm4b:s4+s14], $0x1, s9, s14, $0xb8;
	[tilespmem:$0x1E000] =	vst v63  }
0x9a: {  	_ = 	snop  }
0x9b: {  	[tilespmem:s31], [sflag:$0x2] =	stream.indirect.gather [hbm4b:s4+s14], $0x1, s25, s14, $0xb8;
	[tilespmem:$0x1E000] =	vst v63  }
0x9c: {  	_ =	swait.ge [sflag:s18], $0x2800  }
0x9d: {  	[sflag:s18] =	ssyncset.done $0x0  }
0x9e: {  	[sflag:s18] =	ssyncadd.s32 $0xFFFFD800  }
0x9f: {  	_ =	swait.ge [sflag:s18], $0x2800  }
0xa0: {  	[sflag:s18] =	ssyncset.done $0x0  }
0xa1: {  	[sflag:s18] =	ssyncadd.s32 $0xFFFFD800  }
0xa2: {  	_ =	swait.ge [sflag:s18], $0x2800  }
0xa3: {  	[sflag:s18] =	ssyncset.done $0x0  }
0xa4: {  	[sflag:s18] =	ssyncadd.s32 $0xFFFFD800  }
0xa5: {  	_ =	swait.ge [sflag:s18], $0x2800  }
0xa6: {  	s8 =	rddreg [dreg:$0xb]  }
0xa7: {  	[sflag:s18] =	ssyncset.done $0x0;
	s29 =	rddreg [dreg:$0xe]  }
0xa8: {  	[sflag:s18] =	ssyncadd.s32 $0xFFFFD800;
	s23 =	sadd.s32 $0x0, s8;
	s8 =	simm.s32 $0x14000  }
0xa9: {  	[hbm4b:s23+s7] =	stream.linear.scatter [tilespmem:s8], [sflag:$0x6], $0x2800, $0x38;
	[tilespmem:$0x1E000] =	vst v63  }
0xaa: {  	s31 =	rddreg [dreg:$0xd];
	s19 =	sadd.s32 $0x0, s29  }
0xab: {  	[hbm4b:s19+s7] =	stream.linear.scatter [tilespmem:s30], [sflag:$0x6], $0x2800, $0x38;
	[tilespmem:$0x1E000] =	vst v63  }
0xac: {  	s29 =	rddreg [dreg:$0xc];
	s25 =	sadd.s32 $0x0, s31  }
0xad: {  	[hbm4b:s25+s7] =	stream.linear.scatter [tilespmem:s0], [sflag:$0x6], $0x2800, $0x38;
	[tilespmem:$0x1E000] =	vst v63  }
0xae: {  	s31 =	rddreg [dreg:$0xa];
	s19 =	sadd.s32 $0x0, s29  }
0xaf: {  	[hbm4b:s19+s7] =	stream.linear.scatter [tilespmem:s12], [sflag:$0x6], $0x2800, $0x38;
	[tilespmem:$0x1E000] =	vst v63  }
0xb0: {  	s29 =	rddreg [dreg:$0x9];
	s25 =	sadd.s32 $0x0, s31  }
0xb1: {  	[tilespmem:s10], [sflag:$0x4] =	stream.linear.gather [hbm4b:s25+s7], $0x2800, $0x38;
	[tilespmem:$0x1E000] =	vst v63  }
0xb2: {  	s19 =	sadd.s32 $0x0, s29  }
0xb3: {  	[tilespmem:s11], [sflag:$0x4] =	stream.linear.gather [hbm4b:s19+s7], $0x2800, $0x38;
	[tilespmem:$0x1E000] =	vst v63  }
0xb4: {  	_ =	swait.ge [sflag:s24], $0x2800  }
0xb5: {  	[sflag:s24] =	ssyncset.done $0x0  }
0xb6: {  	[sflag:s24] =	ssyncadd.s32 $0xFFFFD800  }
0xb7: {  	_ =	swait.ge [sflag:s24], $0x2800  }
0xb8: {  	[sflag:s24] =	ssyncset.done $0x0  }
0xb9: {  	[sflag:s24] =	ssyncadd.s32 $0xFFFFD800  }
0xba: {  	_ =	swait.ge [sflag:s21], $0x2800  }
0xbb: {  	[sflag:s21] =	ssyncset.done $0x0  }
0xbc: {  	[sflag:s21] =	ssyncadd.s32 $0xFFFFD800  }
0xbd: {  	_ =	swait.ge [sflag:s21], $0x2800  }
0xbe: {  	[sflag:s21] =	ssyncset.done $0x0  }
0xbf: {  	[sflag:s21] =	ssyncadd.s32 $0xFFFFD800  }
0xc0: {  	_ =	swait.ge [sflag:s21], $0x2800  }
0xc1: {  	[sflag:s21] =	ssyncset.done $0x0  }
0xc2: {  	[sflag:s21] =	ssyncadd.s32 $0xFFFFD800  }
0xc3: {  	_ =	swait.ge [sflag:s21], $0x2800  }
0xc4: {  	[sflag:s21] =	ssyncset.done $0x0  }
0xc5: {  	[sflag:s21] =	ssyncadd.s32 $0xFFFFD800  }
0xc6: {  	[tilespmem:s8], [sflag:$0x5] =	stream.indirect.gather [hbm4b:s1+s14], $0x1, s10, s14, $0xb8;
	[tilespmem:$0x1E000] =	vst v63  }
0xc7: {  	s25 =	simm.s32 $0x15400  }
0xc8: {  	[tilespmem:s25], [sflag:$0x5] =	stream.indirect.gather [hbm4b:s1+s14], $0x1, s28, s14, $0xb8;
	[tilespmem:$0x1E000] =	vst v63  }
0xc9: {  	_ = 	snop  }
0xca: {  	[tilespmem:s30], [sflag:$0x5] =	stream.indirect.gather [hbm4b:s2+s14], $0x1, s10, s14, $0xb8;
	[tilespmem:$0x1E000] =	vst v63  }
0xcb: {  	s19 =	simm.s32 $0x17C00  }
0xcc: {  	[tilespmem:s19], [sflag:$0x5] =	stream.indirect.gather [hbm4b:s2+s14], $0x1, s28, s14, $0xb8;
	[tilespmem:$0x1E000] =	vst v63  }
0xcd: {  	_ = 	snop  }
0xce: {  	[tilespmem:s0], [sflag:$0x5] =	stream.indirect.gather [hbm4b:s3+s14], $0x1, s11, s14, $0xb8;
	[tilespmem:$0x1E000] =	vst v63  }
0xcf: {  	s23 =	simm.s32 $0x1A400  }
0xd0: {  	[tilespmem:s23], [sflag:$0x5] =	stream.indirect.gather [hbm4b:s3+s14], $0x1, s5, s14, $0xb8;
	[tilespmem:$0x1E000] =	vst v63  }
0xd1: {  	_ = 	snop  }
0xd2: {  	[tilespmem:s12], [sflag:$0x5] =	stream.indirect.gather [hbm4b:s4+s14], $0x1, s11, s14, $0xb8;
	[tilespmem:$0x1E000] =	vst v63  }
0xd3: {  	s25 =	simm.s32 $0x1CC00  }
0xd4: {  	[tilespmem:s25], [sflag:$0x5] =	stream.indirect.gather [hbm4b:s4+s14], $0x1, s5, s14, $0xb8;
	[tilespmem:$0x1E000] =	vst v63  }
0xd5: {  	_ =	swait.ge [sflag:s6], $0x2800  }
0xd6: {  	[sflag:s6] =	ssyncset.done $0x0  }
0xd7: {  	[sflag:s6] =	ssyncadd.s32 $0xFFFFD800  }
0xd8: {  	_ =	swait.ge [sflag:s6], $0x2800  }
0xd9: {  	[sflag:s6] =	ssyncset.done $0x0  }
0xda: {  	[sflag:s6] =	ssyncadd.s32 $0xFFFFD800  }
0xdb: {  	_ =	swait.ge [sflag:s6], $0x2800  }
0xdc: {  	[sflag:s6] =	ssyncset.done $0x0  }
0xdd: {  	[sflag:s6] =	ssyncadd.s32 $0xFFFFD800  }
0xde: {  	_ =	swait.ge [sflag:s6], $0x2800  }
0xdf: {  	s8 =	sld [smem:$0x7F5];
	_ =	sdelay $0x2  }
0xe0: {  	[sflag:s6] =	ssyncset.done $0x0;
	s29 =	rddreg [dreg:$0x11];
	s28 =	sshrl.u32 s8, $0x3  }
0xe1: {  	s31 =	rddreg [dreg:$0x10];
	[sflag:s6] =	ssyncadd.s32 $0xFFFFD800;
	s23 =	sadd.s32 s26, s28  }
0xe2: {  	[hbm4b:s23+s7] =	stream.linear.scatter [tilespmem:s22], [sflag:$0x3], $0x2800, $0x38;
	[tilespmem:$0x1E000] =	vst v63  }
0xe3: {  	s19 =	sadd.s32 $0x0, s29;
	s29 =	rddreg [dreg:$0xf]  }
0xe4: {  	[hbm4b:s19+s7] =	stream.linear.scatter [tilespmem:s20], [sflag:$0x3], $0x2800, $0x38;
	[tilespmem:$0x1E000] =	vst v63  }
0xe5: {  	s25 =	sadd.s32 $0x0, s29;
	s22 =	sadd.s32 $0x0, s31;
	s31 =	rddreg [dreg:$0x8]  }
0xe6: {  	[hbm4b:s22+s7] =	stream.linear.scatter [tilespmem:s17], [sflag:$0x3], $0x2800, $0x38;
	[tilespmem:$0x1E000] =	vst v63  }
0xe7: {  	s29 =	rddreg [dreg:$0x7];
	s23 =	simm.s32 $0xA00;
	s28 =	sadd.s32 $0x0, s31  }
0xe8: {  	[hbm4b:s25+s7] =	stream.linear.scatter [tilespmem:s15], [sflag:$0x3], $0x2800, $0x38;
	[tilespmem:$0x1E000] =	vst v63  }
0xe9: {  	s31 =	sadd.s32 $0x0, s29;
	s29 =	sadd.s32 $0x5000, s8;
	s17 =	smov.u32 s26  }
0xea: {  	[tilespmem:s7], [sflag:$0x1] =	stream.linear.gather [hbm4b:s28+s7], $0x2800, $0x38;
	[tilespmem:$0x1E000] =	vst v63  }
.LBB2_2:
0xeb: {  	[tilespmem:s9], [sflag:$0x1] =	stream.linear.gather [hbm4b:s31+s7], $0x2800, $0x38;
	[tilespmem:$0x1E000] =	vst v63  }
0xec: {  	_ =	swait.ge [sflag:s13], $0x2800  }
0xed: {  	[sflag:s13] =	ssyncset.done $0x0  }
0xee: {  	[sflag:s13] =	ssyncadd.s32 $0xFFFFD800  }
0xef: {  	_ =	swait.ge [sflag:s13], $0x2800  }
0xf0: {  	[sflag:s13] =	ssyncset.done $0x0  }
0xf1: {  	[sflag:s13] =	ssyncadd.s32 $0xFFFFD800  }
0xf2: {  	_ =	swait.ge [sflag:s16], $0x2800  }
0xf3: {  	[sflag:s16] =	ssyncset.done $0x0  }
0xf4: {  	[sflag:s16] =	ssyncadd.s32 $0xFFFFD800  }
0xf5: {  	_ =	swait.ge [sflag:s16], $0x2800  }
0xf6: {  	[sflag:s16] =	ssyncset.done $0x0  }
0xf7: {  	[sflag:s16] =	ssyncadd.s32 $0xFFFFD800  }
0xf8: {  	_ =	swait.ge [sflag:s16], $0x2800  }
0xf9: {  	[sflag:s16] =	ssyncset.done $0x0  }
0xfa: {  	[sflag:s16] =	ssyncadd.s32 $0xFFFFD800  }
0xfb: {  	_ =	swait.ge [sflag:s16], $0x2800  }
0xfc: {  	[sflag:s16] =	ssyncset.done $0x0  }
0xfd: {  	s19 =	simm.s32 $0x5000;
	[sflag:s16] =	ssyncadd.s32 $0xFFFFD800  }
0xfe: {  	[tilespmem:s19], [sflag:$0x2] =	stream.indirect.gather [hbm4b:s1+s14], $0x1, s7, s14, $0xb8;
	[tilespmem:$0x1E000] =	vst v63  }
0xff: {  	s8 =	simm.s32 $0x6400  }
0x100: {  	[tilespmem:s8], [sflag:$0x2] =	stream.indirect.gather [hbm4b:s1+s14], $0x1, s14, s14, $0xb8;
	[tilespmem:$0x1E000] =	vst v63  }
0x101: {  	s20 =	simm.s32 $0x7800  }
0x102: {  	[tilespmem:s20], [sflag:$0x2] =	stream.indirect.gather [hbm4b:s2+s14], $0x1, s7, s14, $0xb8;
	[tilespmem:$0x1E000] =	vst v63  }
0x103: {  	s26 =	simm.s32 $0x8C00  }
0x104: {  	[tilespmem:s26], [sflag:$0x2] =	stream.indirect.gather [hbm4b:s2+s14], $0x1, s14, s14, $0xb8;
	[tilespmem:$0x1E000] =	vst v63  }
0x105: {  	s22 =	simm.s32 $0xA000  }
0x106: {  	[tilespmem:s22], [sflag:$0x2] =	stream.indirect.gather [hbm4b:s3+s14], $0x1, s9, s14, $0xb8;
	[tilespmem:$0x1E000] =	vst v63  }
0x107: {  	s28 =	simm.s32 $0x3C00;
	s15 =	simm.s32 $0xB400  }
0x108: {  	[tilespmem:s15], [sflag:$0x2] =	stream.indirect.gather [hbm4b:s3+s14], $0x1, s28, s14, $0xb8;
	[tilespmem:$0x1E000] =	vst v63  }
0x109: {  	s26 =	simm.s32 $0xC800  }
0x10a: {  	[tilespmem:s26], [sflag:$0x2] =	stream.indirect.gather [hbm4b:s4+s14], $0x1, s9, s14, $0xb8;
	[tilespmem:$0x1E000] =	vst v63  }
0x10b: {  	s25 =	simm.s32 $0xDC00  }
0x10c: {  	[tilespmem:s25], [sflag:$0x2] =	stream.indirect.gather [hbm4b:s4+s14], $0x1, s28, s14, $0xb8;
	[tilespmem:$0x1E000] =	vst v63  }
0x10d: {  	_ =	swait.ge [sflag:s18], $0x2800  }
0x10e: {  	[sflag:s18] =	ssyncset.done $0x0  }
0x10f: {  	[sflag:s18] =	ssyncadd.s32 $0xFFFFD800  }
0x110: {  	_ =	swait.ge [sflag:s18], $0x2800  }
0x111: {  	[sflag:s18] =	ssyncset.done $0x0  }
0x112: {  	[sflag:s18] =	ssyncadd.s32 $0xFFFFD800  }
0x113: {  	_ =	swait.ge [sflag:s18], $0x2800  }
0x114: {  	[sflag:s18] =	ssyncset.done $0x0  }
0x115: {  	[sflag:s18] =	ssyncadd.s32 $0xFFFFD800  }
0x116: {  	_ =	swait.ge [sflag:s18], $0x2800  }
0x117: {  	s28 =	rddreg [dreg:$0xb]  }
0x118: {  	s31 =	smov.u32 s23;
	[sflag:s18] =	ssyncset.done $0x0;
	s25 =	rddreg [dreg:$0xe]  }
0x119: {  	[sflag:s18] =	ssyncadd.s32 $0xFFFFD800;
	s8 =	sadd.s32 s31, s28;
	s28 =	simm.s32 $0x14000  }
0x11a: {  	[hbm4b:s8+s7] =	stream.linear.scatter [tilespmem:s28], [sflag:$0x6], $0x2800, $0x38;
	[tilespmem:$0x1E000] =	vst v63  }
0x11b: {  	s15 =	rddreg [dreg:$0xd];
	s8 =	sadd.s32 s31, s25  }
0x11c: {  	[hbm4b:s8+s7] =	stream.linear.scatter [tilespmem:s30], [sflag:$0x6], $0x2800, $0x38;
	[tilespmem:$0x1E000] =	vst v63  }
0x11d: {  	s25 =	rddreg [dreg:$0xc];
	s8 =	sadd.s32 s31, s15  }
0x11e: {  	[hbm4b:s8+s7] =	stream.linear.scatter [tilespmem:s0], [sflag:$0x6], $0x2800, $0x38;
	[tilespmem:$0x1E000] =	vst v63  }
0x11f: {  	s15 =	rddreg [dreg:$0xa];
	s8 =	sadd.s32 s31, s25  }
0x120: {  	[hbm4b:s8+s7] =	stream.linear.scatter [tilespmem:s12], [sflag:$0x6], $0x2800, $0x38;
	[tilespmem:$0x1E000] =	vst v63  }
0x121: {  	s15 =	sadd.s32 s31, s15;
	s25 =	rddreg [dreg:$0x9]  }
0x122: {  	[tilespmem:s10], [sflag:$0x4] =	stream.linear.gather [hbm4b:s15+s7], $0x2800, $0x38;
	[tilespmem:$0x1E000] =	vst v63  }
0x123: {  	s15 =	sadd.s32 s31, s25  }
0x124: {  	[tilespmem:s11], [sflag:$0x4] =	stream.linear.gather [hbm4b:s15+s7], $0x2800, $0x38;
	[tilespmem:$0x1E000] =	vst v63  }
0x125: {  	_ =	swait.ge [sflag:s24], $0x2800  }
0x126: {  	[sflag:s24] =	ssyncset.done $0x0  }
0x127: {  	[sflag:s24] =	ssyncadd.s32 $0xFFFFD800  }
0x128: {  	_ =	swait.ge [sflag:s24], $0x2800  }
0x129: {  	[sflag:s24] =	ssyncset.done $0x0  }
0x12a: {  	[sflag:s24] =	ssyncadd.s32 $0xFFFFD800  }
0x12b: {  	_ =	swait.ge [sflag:s21], $0x2800  }
0x12c: {  	[sflag:s21] =	ssyncset.done $0x0  }
0x12d: {  	[sflag:s21] =	ssyncadd.s32 $0xFFFFD800  }
0x12e: {  	_ =	swait.ge [sflag:s21], $0x2800  }
0x12f: {  	[sflag:s21] =	ssyncset.done $0x0  }
0x130: {  	[sflag:s21] =	ssyncadd.s32 $0xFFFFD800  }
0x131: {  	_ =	swait.ge [sflag:s21], $0x2800  }
0x132: {  	[sflag:s21] =	ssyncset.done $0x0  }
0x133: {  	[sflag:s21] =	ssyncadd.s32 $0xFFFFD800  }
0x134: {  	_ =	swait.ge [sflag:s21], $0x2800  }
0x135: {  	[sflag:s21] =	ssyncset.done $0x0  }
0x136: {  	[sflag:s21] =	ssyncadd.s32 $0xFFFFD800  }
0x137: {  	[tilespmem:s28], [sflag:$0x5] =	stream.indirect.gather [hbm4b:s1+s14], $0x1, s10, s14, $0xb8;
	[tilespmem:$0x1E000] =	vst v63  }
0x138: {  	s8 =	simm.s32 $0x10400;
	s25 =	simm.s32 $0x15400  }
0x139: {  	[tilespmem:s25], [sflag:$0x5] =	stream.indirect.gather [hbm4b:s1+s14], $0x1, s8, s14, $0xb8;
	[tilespmem:$0x1E000] =	vst v63  }
0x13a: {  	_ = 	snop  }
0x13b: {  	[tilespmem:s30], [sflag:$0x5] =	stream.indirect.gather [hbm4b:s2+s14], $0x1, s10, s14, $0xb8;
	[tilespmem:$0x1E000] =	vst v63  }
0x13c: {  	s28 =	simm.s32 $0x17C00  }
0x13d: {  	[tilespmem:s28], [sflag:$0x5] =	stream.indirect.gather [hbm4b:s2+s14], $0x1, s8, s14, $0xb8;
	[tilespmem:$0x1E000] =	vst v63  }
0x13e: {  	_ = 	snop  }
0x13f: {  	[tilespmem:s0], [sflag:$0x5] =	stream.indirect.gather [hbm4b:s3+s14], $0x1, s11, s14, $0xb8;
	[tilespmem:$0x1E000] =	vst v63  }
0x140: {  	s25 =	simm.s32 $0x1A400  }
0x141: {  	[tilespmem:s25], [sflag:$0x5] =	stream.indirect.gather [hbm4b:s3+s14], $0x1, s5, s14, $0xb8;
	[tilespmem:$0x1E000] =	vst v63  }
0x142: {  	_ = 	snop  }
0x143: {  	[tilespmem:s12], [sflag:$0x5] =	stream.indirect.gather [hbm4b:s4+s14], $0x1, s11, s14, $0xb8;
	[tilespmem:$0x1E000] =	vst v63  }
0x144: {  	s28 =	simm.s32 $0x1CC00  }
0x145: {  	[tilespmem:s28], [sflag:$0x5] =	stream.indirect.gather [hbm4b:s4+s14], $0x1, s5, s14, $0xb8;
	[tilespmem:$0x1E000] =	vst v63  }
0x146: {  	_ =	swait.ge [sflag:s6], $0x2800  }
0x147: {  	[sflag:s6] =	ssyncset.done $0x0  }
0x148: {  	[sflag:s6] =	ssyncadd.s32 $0xFFFFD800  }
0x149: {  	_ =	swait.ge [sflag:s6], $0x2800  }
0x14a: {  	[sflag:s6] =	ssyncset.done $0x0  }
0x14b: {  	[sflag:s6] =	ssyncadd.s32 $0xFFFFD800  }
0x14c: {  	_ =	swait.ge [sflag:s6], $0x2800  }
0x14d: {  	[sflag:s6] =	ssyncset.done $0x0  }
0x14e: {  	[sflag:s6] =	ssyncadd.s32 $0xFFFFD800  }
0x14f: {  	_ =	swait.ge [sflag:s6], $0x2800  }
0x150: {  	s15 =	sshrl.u32 s29, $0x3;
	[sflag:s6] =	ssyncset.done $0x0  }
0x151: {  	s8 =	sadd.s32 s17, s15;
	s25 =	rddreg [dreg:$0x11];
	[sflag:s6] =	ssyncadd.s32 $0xFFFFD800  }
0x152: {  	[hbm4b:s8+s7] =	stream.linear.scatter [tilespmem:s19], [sflag:$0x3], $0x2800, $0x38;
	[tilespmem:$0x1E000] =	vst v63  }
0x153: {  	s28 =	rddreg [dreg:$0x10];
	s19 =	sadd.s32 s31, s25  }
0x154: {  	[hbm4b:s19+s7] =	stream.linear.scatter [tilespmem:s20], [sflag:$0x3], $0x2800, $0x38;
	[tilespmem:$0x1E000] =	vst v63  }
0x155: {  	p0 =	sne.s32 s23, $0x1400;
	s15 =	rddreg [dreg:$0xf];
	s28 =	sadd.s32 s31, s28  }
0x156: {  	[hbm4b:s28+s7] =	stream.linear.scatter [tilespmem:s22], [sflag:$0x3], $0x2800, $0x38;
	[tilespmem:$0x1E000] =	vst v63  }
.Ltmp0:
0x157: {  	s19 =	rddreg [dreg:$0x8];
	(pc) =	sbr.rel @p0 .LBB2_2-.Ltmp0, $4  }
0x158: {  	s23 =	sadd.s32 $0xA00, s23;
	s20 =	sadd.s32 s31, s15;
	s22 =	rddreg [dreg:$0x7]  }
0x159: {  	[hbm4b:s20+s7] =	stream.linear.scatter [tilespmem:s26], [sflag:$0x3], $0x2800, $0x38;
	[tilespmem:$0x1E000] =	vst v63  }
0x15a: {  	s29 =	sadd.s32 $0x5000, s29;
	s28 =	sadd.s32 s31, s19;
	s31 =	sadd.s32 s31, s22  }
0x15b: {  	[tilespmem:s7], [sflag:$0x1] =	stream.linear.gather [hbm4b:s28+s7], $0x2800, $0x38;
	[tilespmem:$0x1E000] =	vst v63  }
0x15c: {  	[tilespmem:s9], [sflag:$0x1] =	stream.linear.gather [hbm4b:s31+s7], $0x2800, $0x38;
	[tilespmem:$0x1E000] =	vst v63  }
0x15d: {  	_ =	swait.ge [sflag:s13], $0x2800  }
0x15e: {  	[sflag:s13] =	ssyncset.done $0x0  }
0x15f: {  	[sflag:s13] =	ssyncadd.s32 $0xFFFFD800  }
0x160: {  	_ =	swait.ge [sflag:s13], $0x2800  }
0x161: {  	[sflag:s13] =	ssyncset.done $0x0  }
0x162: {  	[sflag:s13] =	ssyncadd.s32 $0xFFFFD800  }
0x163: {  	_ =	swait.ge [sflag:s16], $0x2800  }
0x164: {  	[sflag:s16] =	ssyncset.done $0x0  }
0x165: {  	[sflag:s16] =	ssyncadd.s32 $0xFFFFD800  }
0x166: {  	_ =	swait.ge [sflag:s16], $0x2800  }
0x167: {  	[sflag:s16] =	ssyncset.done $0x0  }
0x168: {  	[sflag:s16] =	ssyncadd.s32 $0xFFFFD800  }
0x169: {  	_ =	swait.ge [sflag:s16], $0x2800  }
0x16a: {  	[sflag:s16] =	ssyncset.done $0x0  }
0x16b: {  	[sflag:s16] =	ssyncadd.s32 $0xFFFFD800  }
0x16c: {  	_ =	swait.ge [sflag:s16], $0x2800  }
0x16d: {  	[sflag:s16] =	ssyncset.done $0x0  }
0x16e: {  	s15 =	simm.s32 $0x5000;
	[sflag:s16] =	ssyncadd.s32 $0xFFFFD800  }
0x16f: {  	[tilespmem:s15], [sflag:$0x2] =	stream.indirect.gather [hbm4b:s1+s14], $0x1, s7, s14, $0xb8;
	[tilespmem:$0x1E000] =	vst v63  }
0x170: {  	s8 =	simm.s32 $0x6400  }
0x171: {  	[tilespmem:s8], [sflag:$0x2] =	stream.indirect.gather [hbm4b:s1+s14], $0x1, s14, s14, $0xb8;
	[tilespmem:$0x1E000] =	vst v63  }
0x172: {  	s19 =	simm.s32 $0x7800  }
0x173: {  	[tilespmem:s19], [sflag:$0x2] =	stream.indirect.gather [hbm4b:s2+s14], $0x1, s7, s14, $0xb8;
	[tilespmem:$0x1E000] =	vst v63  }
0x174: {  	s26 =	simm.s32 $0x8C00  }
0x175: {  	[tilespmem:s26], [sflag:$0x2] =	stream.indirect.gather [hbm4b:s2+s14], $0x1, s14, s14, $0xb8;
	[tilespmem:$0x1E000] =	vst v63  }
0x176: {  	s20 =	simm.s32 $0xA000  }
0x177: {  	[tilespmem:s20], [sflag:$0x2] =	stream.indirect.gather [hbm4b:s3+s14], $0x1, s9, s14, $0xb8;
	[tilespmem:$0x1E000] =	vst v63  }
0x178: {  	s28 =	simm.s32 $0x3C00;
	s22 =	simm.s32 $0xB400  }
0x179: {  	[tilespmem:s22], [sflag:$0x2] =	stream.indirect.gather [hbm4b:s3+s14], $0x1, s28, s14, $0xb8;
	[tilespmem:$0x1E000] =	vst v63  }
0x17a: {  	s22 =	simm.s32 $0xC800  }
0x17b: {  	[tilespmem:s22], [sflag:$0x2] =	stream.indirect.gather [hbm4b:s4+s14], $0x1, s9, s14, $0xb8;
	[tilespmem:$0x1E000] =	vst v63  }
0x17c: {  	s23 =	simm.s32 $0xDC00  }
0x17d: {  	[tilespmem:s23], [sflag:$0x2] =	stream.indirect.gather [hbm4b:s4+s14], $0x1, s28, s14, $0xb8;
	[tilespmem:$0x1E000] =	vst v63  }
0x17e: {  	_ =	swait.ge [sflag:s18], $0x2800  }
0x17f: {  	[sflag:s18] =	ssyncset.done $0x0  }
0x180: {  	[sflag:s18] =	ssyncadd.s32 $0xFFFFD800  }
0x181: {  	_ =	swait.ge [sflag:s18], $0x2800  }
0x182: {  	[sflag:s18] =	ssyncset.done $0x0  }
0x183: {  	[sflag:s18] =	ssyncadd.s32 $0xFFFFD800  }
0x184: {  	_ =	swait.ge [sflag:s18], $0x2800  }
0x185: {  	[sflag:s18] =	ssyncset.done $0x0  }
0x186: {  	[sflag:s18] =	ssyncadd.s32 $0xFFFFD800  }
0x187: {  	_ =	swait.ge [sflag:s18], $0x2800  }
0x188: {  	[sflag:s18] =	ssyncset.done $0x0;
	s29 =	rddreg [dreg:$0x1c]  }
0x189: {  	s23 =	simm.s32 $0x14000;
	s31 =	rddreg [dreg:$0x1d];
	[sflag:s18] =	ssyncadd.s32 $0xFFFFD800  }
0x18a: {  	[hbm4b:s29+s7] =	stream.linear.scatter [tilespmem:s23], [sflag:$0x6], $0x2800, $0x38;
	[tilespmem:$0x1E000] =	vst v63  }
0x18b: {  	s25 =	rddreg [dreg:$0x1e]  }
0x18c: {  	[hbm4b:s31+s7] =	stream.linear.scatter [tilespmem:s30], [sflag:$0x6], $0x2800, $0x38;
	[tilespmem:$0x1E000] =	vst v63  }
0x18d: {  	s26 =	sld [smem:$0x7F6]  }
0x18e: {  	[hbm4b:s25+s7] =	stream.linear.scatter [tilespmem:s0], [sflag:$0x6], $0x2800, $0x38;
	[tilespmem:$0x1E000] =	vst v63  }
0x18f: {  	s28 =	rddreg [dreg:$0x1f]  }
0x190: {  	[hbm4b:s26+s7] =	stream.linear.scatter [tilespmem:s12], [sflag:$0x6], $0x2800, $0x38;
	[tilespmem:$0x1E000] =	vst v63  }
0x191: {  	s29 =	sld [smem:$0x7F2]  }
0x192: {  	[tilespmem:s10], [sflag:$0x4] =	stream.linear.gather [hbm4b:s28+s7], $0x2800, $0x38;
	[tilespmem:$0x1E000] =	vst v63  }
0x193: {  	_ = 	snop  }
0x194: {  	[tilespmem:s11], [sflag:$0x4] =	stream.linear.gather [hbm4b:s29+s7], $0x2800, $0x38;
	[tilespmem:$0x1E000] =	vst v63  }
0x195: {  	_ =	swait.ge [sflag:s24], $0x2800  }
0x196: {  	[sflag:s24] =	ssyncset.done $0x0  }
0x197: {  	[sflag:s24] =	ssyncadd.s32 $0xFFFFD800  }
0x198: {  	_ =	swait.ge [sflag:s24], $0x2800  }
0x199: {  	[sflag:s24] =	ssyncset.done $0x0  }
0x19a: {  	[sflag:s24] =	ssyncadd.s32 $0xFFFFD800  }
0x19b: {  	_ =	swait.ge [sflag:s21], $0x2800  }
0x19c: {  	[sflag:s21] =	ssyncset.done $0x0  }
0x19d: {  	[sflag:s21] =	ssyncadd.s32 $0xFFFFD800  }
0x19e: {  	_ =	swait.ge [sflag:s21], $0x2800  }
0x19f: {  	[sflag:s21] =	ssyncset.done $0x0  }
0x1a0: {  	[sflag:s21] =	ssyncadd.s32 $0xFFFFD800  }
0x1a1: {  	_ =	swait.ge [sflag:s21], $0x2800  }
0x1a2: {  	[sflag:s21] =	ssyncset.done $0x0  }
0x1a3: {  	[sflag:s21] =	ssyncadd.s32 $0xFFFFD800  }
0x1a4: {  	_ =	swait.ge [sflag:s21], $0x2800  }
0x1a5: {  	[sflag:s21] =	ssyncset.done $0x0  }
0x1a6: {  	[sflag:s21] =	ssyncadd.s32 $0xFFFFD800  }
0x1a7: {  	[tilespmem:s23], [sflag:$0x5] =	stream.indirect.gather [hbm4b:s1+s14], $0x1, s10, s14, $0xb8;
	[tilespmem:$0x1E000] =	vst v63  }
0x1a8: {  	s31 =	simm.s32 $0x10400;
	s25 =	simm.s32 $0x15400  }
0x1a9: {  	[tilespmem:s25], [sflag:$0x5] =	stream.indirect.gather [hbm4b:s1+s14], $0x1, s31, s14, $0xb8;
	[tilespmem:$0x1E000] =	vst v63  }
0x1aa: {  	_ = 	snop  }
0x1ab: {  	[tilespmem:s30], [sflag:$0x5] =	stream.indirect.gather [hbm4b:s2+s14], $0x1, s10, s14, $0xb8;
	[tilespmem:$0x1E000] =	vst v63  }
0x1ac: {  	s26 =	simm.s32 $0x17C00  }
0x1ad: {  	[tilespmem:s26], [sflag:$0x5] =	stream.indirect.gather [hbm4b:s2+s14], $0x1, s31, s14, $0xb8;
	[tilespmem:$0x1E000] =	vst v63  }
0x1ae: {  	_ = 	snop  }
0x1af: {  	[tilespmem:s0], [sflag:$0x5] =	stream.indirect.gather [hbm4b:s3+s14], $0x1, s11, s14, $0xb8;
	[tilespmem:$0x1E000] =	vst v63  }
0x1b0: {  	s28 =	simm.s32 $0x1A400  }
0x1b1: {  	[tilespmem:s28], [sflag:$0x5] =	stream.indirect.gather [hbm4b:s3+s14], $0x1, s5, s14, $0xb8;
	[tilespmem:$0x1E000] =	vst v63  }
0x1b2: {  	_ = 	snop  }
0x1b3: {  	[tilespmem:s12], [sflag:$0x5] =	stream.indirect.gather [hbm4b:s4+s14], $0x1, s11, s14, $0xb8;
	[tilespmem:$0x1E000] =	vst v63  }
0x1b4: {  	s29 =	simm.s32 $0x1CC00  }
0x1b5: {  	[tilespmem:s29], [sflag:$0x5] =	stream.indirect.gather [hbm4b:s4+s14], $0x1, s5, s14, $0xb8;
	[tilespmem:$0x1E000] =	vst v63  }
0x1b6: {  	_ =	swait.ge [sflag:s6], $0x2800  }
0x1b7: {  	[sflag:s6] =	ssyncset.done $0x0  }
0x1b8: {  	[sflag:s6] =	ssyncadd.s32 $0xFFFFD800  }
0x1b9: {  	_ =	swait.ge [sflag:s6], $0x2800  }
0x1ba: {  	[sflag:s6] =	ssyncset.done $0x0  }
0x1bb: {  	[sflag:s6] =	ssyncadd.s32 $0xFFFFD800  }
0x1bc: {  	_ =	swait.ge [sflag:s6], $0x2800  }
0x1bd: {  	[sflag:s6] =	ssyncset.done $0x0  }
0x1be: {  	[sflag:s6] =	ssyncadd.s32 $0xFFFFD800  }
0x1bf: {  	_ =	swait.ge [sflag:s6], $0x2800  }
0x1c0: {  	s31 =	sld [smem:$0x7F7]  }
0x1c1: {  	[sflag:s6] =	ssyncset.done $0x0  }
0x1c2: {  	[sflag:s6] =	ssyncadd.s32 $0xFFFFD800  }
0x1c3: {  	[hbm4b:s31+s7] =	stream.linear.scatter [tilespmem:s15], [sflag:$0x3], $0x2800, $0x38;
	[tilespmem:$0x1E000] =	vst v63  }
0x1c4: {  	s15 =	sld [smem:$0x7F8];
	_ =	sdelay $0x2  }
0x1c5: {  	[hbm4b:s15+s7] =	stream.linear.scatter [tilespmem:s19], [sflag:$0x3], $0x2800, $0x38;
	[tilespmem:$0x1E000] =	vst v63  }
0x1c6: {  	s19 =	sld [smem:$0x7F9];
	_ =	sdelay $0x2  }
0x1c7: {  	[hbm4b:s19+s7] =	stream.linear.scatter [tilespmem:s20], [sflag:$0x3], $0x2800, $0x38;
	[tilespmem:$0x1E000] =	vst v63  }
0x1c8: {  	s20 =	sld [smem:$0x7FA];
	_ =	sdelay $0x2  }
0x1c9: {  	[hbm4b:s20+s7] =	stream.linear.scatter [tilespmem:s22], [sflag:$0x3], $0x2800, $0x38;
	[tilespmem:$0x1E000] =	vst v63  }
0x1ca: {  	_ =	swait.ge [sflag:s18], $0x2800  }
0x1cb: {  	[sflag:s18] =	ssyncset.done $0x0  }
0x1cc: {  	[sflag:s18] =	ssyncadd.s32 $0xFFFFD800  }
0x1cd: {  	_ =	swait.ge [sflag:s18], $0x2800  }
0x1ce: {  	[sflag:s18] =	ssyncset.done $0x0  }
0x1cf: {  	[sflag:s18] =	ssyncadd.s32 $0xFFFFD800  }
0x1d0: {  	_ =	swait.ge [sflag:s18], $0x2800  }
0x1d1: {  	[sflag:s18] =	ssyncset.done $0x0  }
0x1d2: {  	[sflag:s18] =	ssyncadd.s32 $0xFFFFD800  }
0x1d3: {  	_ =	swait.ge [sflag:s18], $0x2800  }
0x1d4: {  	s22 =	sld [smem:$0x7F3]  }
0x1d5: {  	[sflag:s18] =	ssyncset.done $0x0  }
0x1d6: {  	s25 =	sld [smem:$0x7FB];
	[sflag:s18] =	ssyncadd.s32 $0xFFFFD800  }
0x1d7: {  	[hbm4b:s22+s7] =	stream.linear.scatter [tilespmem:s23], [sflag:$0x6], $0x2800, $0x38;
	[tilespmem:$0x1E000] =	vst v63  }
0x1d8: {  	s26 =	sld [smem:$0x7FC]  }
0x1d9: {  	[hbm4b:s25+s7] =	stream.linear.scatter [tilespmem:s30], [sflag:$0x6], $0x2800, $0x38;
	[tilespmem:$0x1E000] =	vst v63  }
0x1da: {  	s28 =	sld [smem:$0x7FD]  }
0x1db: {  	[hbm4b:s26+s7] =	stream.linear.scatter [tilespmem:s0], [sflag:$0x6], $0x2800, $0x38;
	[tilespmem:$0x1E000] =	vst v63  }
0x1dc: {  	_ = 	snop  }
0x1dd: {  	[hbm4b:s28+s7] =	stream.linear.scatter [tilespmem:s12], [sflag:$0x6], $0x2800, $0x38;
	[tilespmem:$0x1E000] =	vst v63  }
0x1de: {  	_ =	swait.ge [sflag:s16], $0x2800  }
0x1df: {  	[sflag:s16] =	ssyncset.done $0x0  }
0x1e0: {  	[sflag:s16] =	ssyncadd.s32 $0xFFFFD800  }
0x1e1: {  	_ =	swait.ge [sflag:s16], $0x2800  }
0x1e2: {  	[sflag:s16] =	ssyncset.done $0x0  }
0x1e3: {  	[sflag:s16] =	ssyncadd.s32 $0xFFFFD800  }
0x1e4: {  	_ =	swait.ge [sflag:s16], $0x2800  }
0x1e5: {  	[sflag:s16] =	ssyncset.done $0x0  }
0x1e6: {  	[sflag:s16] =	ssyncadd.s32 $0xFFFFD800  }
0x1e7: {  	_ =	swait.ge [sflag:s16], $0x2800  }
0x1e8: {  	[sflag:s16] =	ssyncset.done $0x0  }
0x1e9: {  	[sflag:s16] =	ssyncadd.s32 $0xFFFFD800  }
0x1ea: {  	_ =	swait.ge [sflag:s21], $0x2800  }
0x1eb: {  	[sflag:s21] =	ssyncset.done $0x0  }
0x1ec: {  	[sflag:s21] =	ssyncadd.s32 $0xFFFFD800  }
0x1ed: {  	_ =	swait.ge [sflag:s21], $0x2800  }
0x1ee: {  	[sflag:s21] =	ssyncset.done $0x0  }
0x1ef: {  	[sflag:s21] =	ssyncadd.s32 $0xFFFFD800  }
0x1f0: {  	_ =	swait.ge [sflag:s21], $0x2800  }
0x1f1: {  	[sflag:s21] =	ssyncset.done $0x0  }
0x1f2: {  	[sflag:s21] =	ssyncadd.s32 $0xFFFFD800  }
0x1f3: {  	_ =	swait.ge [sflag:s21], $0x2800  }
0x1f4: {  	s29 =	sld [smem:$0x7F1]  }
0x1f5: {  	s31 =	sld [smem:$0x7F4];
	_ =	sdelay $0x1  }
0x1f6: {  	s15 =	sadd.s32 $0x1, s29  }
0x1f7: {  	p0 =	sne.s32 s15, s31  }
.Ltmp1:
0x1f8: {  	_ = 	snop;
	(pc) =	sbr.rel @p0 .LBB2_1-.Ltmp1, $3  }
0x1f9: {  	_ =	sdelay $0x1  }
0x1fa: {  	[sflag:s21] =	ssyncset.done $0x0  }
0x1fb: {  	s26 =	smov.u32 s17;
	[sflag:s21] =	ssyncadd.s32 $0xFFFFD800  }
0x1fc: {  	_ =	sfence.sel $0x180000  }
0x1fd: {  	[bflag:$0x0] =	sbarrier.arrive $0xFFFF  }
0x1fe: {  	_ =	strace $0x90000047  }
0x1ff: {  	s0 =	stileid.u32;
	[bflag:$0x2] =	sbarrier.arrive $0xFFFF  }
0x200: {  	p0 =	sne.s32 s0, $0x0;
	s0 =	rddreg [dreg:$0x6]  }
0x201: {  	s0 =	sadd.s32 @!p0 $0x100000, s0  }
0x202: {  	[sflag:s0] =	ssyncadd.tile.s32 @!p0 $0x1;
	_ =	shalt  }
.Lfunc_end2:
_tile_overlayer_lowered:
.L_overlay_start_2:
0x203: {  	(tag) =	ssettag $0x2  }
0x204: {  	s0 =	rddreg [dreg:$0x0];
	s2 =	stileid.u32  }
0x205: {  	s1 =	rddreg [dreg:$0x1];
	p0 =	sne.s32 s2, $0x0  }
0x206: {  	s3 =	rddreg [dreg:$0x2];
	[bflag:$0x3] =	sbarrier.arrive $0xFFFF;
	s2 =	simm.s32 @!p0 $0x1C07  }
0x207: {  	[timem:s3], [sflag:s2] =	dma.local @!p0 [hbm:s0], s1  }
0x208: {  	s0 =	simm.s32 @!p0 $0x7  }
0x209: {  	_ =	swait.ge @!p0 [sflag:s0], s1  }
0x20a: {  	s1 =	ssub.s32 @!p0 $0x0, s1;
	[sflag:s0] =	ssyncset.done @!p0 $0x0  }
0x20b: {  	[sflag:s0] =	ssyncadd.s32 @!p0 s1  }
0x20c: {  	[bflag:$0x3] =	sbarrier.arrive $0xFFFF  }
0x20d: {  	_ =	shalt  }

// kernel: sparse-core-data-format-call.cloned.1.call-start
scs
called_computation_lowered:
.L_overlay_start_0:
0x0: {  	s2 =	sld [smem:$0x3FD9]  }
0x1: {  	s3 =	sld [smem:$0x3FFE];
	_ =	sdelay $0x1  }
0x2: {  	s1 =	srdreg.scid  }
0x3: {  	s0 =	sand.u32 $0x1, s1  }
0x4: {  	s18 =	sshll.u32 s0, $0xA;
	s2 =	sadd.s32 s3, s2  }
0x5: {  	s2 =	sadd.s32 s2, s18  }
0x6: {  	[smem:$0x3FC2] =	sst s2  }
0x7: {  	_ = 	snop  }
0x8: {  	s2 =	sld [smem:$0x3FD0];
	(tm) =	ssettm $0x1  }
0x9: {  	s19 =	sld [smem:$0x3FFB];
	_ =	sdelay $0x3  }
0xa: {  	_ =	strace s19  }
0xb: {  	s3 =	sld [smem:$0x3FFC];
	_ =	sdelay $0x3  }
0xc: {  	_ =	strace s3  }
0xd: {  	s3 =	sld [smem:$0x3FFD];
	_ =	sdelay $0x3  }
0xe: {  	_ =	strace s3  }
0xf: {  	_ =	strace $0x8FFFFFFF  }
0x10: {  	s20 =	sld [smem:$0x3FDB];
	_ =	sdelay $0x1  }
0x11: {  	s4 =	simm.s32 $_scs_section_size  }
0x12: {  	s5 =	simm.s32 $_size__tile_overlayer_lowered;
	s6 =	simm.s32 $_tile_overlayer_lowered  }
0x13: {  	s23 =	simm.s32 $0x1BFF;
	s22 =	sshll.u32 s6, $0x1;
	s3 =	sadd.s32 s4, s20  }
0x14: {  	s7 =	simm.s32 $0x0;
	s21 =	sshll.u32 s5, $0x1;
	s5 =	sadd.s32 s22, s3  }
0x15: {  	[timem:s7], [sflag:s23] =	dma.local [hbm:s5], s21  }
0x16: {  	_ =	swait.ge [sflag:s23], s21  }
0x17: {  	s4 =	ssub.s32 $0x0, s21;
	[sflag:s23] =	ssyncset.done $0x0  }
0x18: {  	[sflag:s23] =	ssyncadd.s32 s4;
	_ =	sdelay $0x1  }
0x19: {  	s24 =	simm.s32 $0x1B8B  }
0x1a: {  	_ =	swait.ge [sflag:s24], $0x1  }
0x1b: {  	[sflag:s24] =	ssyncset.done $0x0  }
0x1c: {  	s26 =	simm.s32 $0x1B8E;
	s25 =	sld [smem:$0x3FFE];
	[sflag:s24] =	ssyncadd.s32 $0xFFFFFFFF  }
0x1d: {  	s27 =	simm.s32 $execute0_lowered;
	[smem:$0x3FD2] =	sst s26  }
0x1e: {  	s5 =	sshll.u32 s27, $0x1;
	_ =	strace $0x80000049;
	[dreg:$0x1] =	wrdreg $0xFFFFFFFF  }
0x1f: {  	s28 =	simm.s32 $_size_execute0_lowered;
	s3 =	sadd.s32 s3, s5;
	[dreg:$0x0] =	wrdreg $0x0  }
0x20: {  	s5 =	sshll.u32 s28, $0x1;
	[dreg:$0x2] =	wrdreg s3  }
0x21: {  	[dreg:$0x3] =	wrdreg s5  }
0x22: {  	[dreg:$0x4] =	wrdreg $0xC0  }
0x23: {  	_ =	task [dreg:s7], $0x5FFFF  }
0x24: {  	[dreg:$0x1] =	wrdreg $0xFFFFFFFF  }
0x25: {  	[dreg:$0x0] =	wrdreg $0x60  }
0x26: {  	[dreg:$0x2] =	wrdreg s25  }
0x27: {  	[dreg:$0x3] =	wrdreg s2  }
0x28: {  	[dreg:$0x4] =	wrdreg $0x9  }
0x29: {  	_ =	task.clear_ibuf [dreg:s7], $0x5FFFF;
	_ =	strace $0x90000049  }
0x2a: {  	s29 =	simm.s32 $0x9;
	_ =	strace $0x8000004B  }
0x2b: {  	_ =	swait.ge [sflag:s29], $0x1  }
0x2c: {  	[sflag:s29] =	ssyncadd.s32 $0xFFFFFFFF  }
0x2d: {  	_ =	strace $0x9000004B  }
0x2e: {  	_ =	sfence  }
0x2f: {  	s30 =	sld [smem:$0x0];
	_ =	sdelay $0x2  }
0x30: {  	s31 =	sshll.u32 s1, $0xD;
	s1 =	sshrl.u32 s1, $0x2  }
0x31: {  	s3 =	sand.u32 $0x4000, s31;
	s1 =	sadd.s32 s1, s30  }
0x32: {  	s0 =	sor.u32 s3, s0;
	s1 =	sshll.u32 s1, $0x11  }
0x33: {  	s0 =	sor.u32 s1, s0  }
0x34: {  	s0 =	sadd.s32 $0x8F2B, s0  }
0x35: {  	[sflag:s0] =	ssyncadd.remote.s32 $0x1  }
0x36: {  	_ =	sfence.sel $0xFFFF  }
0x37: {  	[dreg:$0x0] =	wrdreg $0xFFFFFFFF;
	(pc) =	sbr.abs _section_cstart, $3  }
0x38: {  	[dreg:$0x1] =	wrdreg $0xFFFFFFFF  }
0x39: {  	_ =	task.clear_ibuf [dreg:s7], $0x2FFFF;
	_ =	strace $0x9FFFFFFF  }
0x3a: {  	(tm) =	ssettm $0x7FFFFFFF  }
0x3b: {  	_ =	shalt  }
tec
execute0_lowered:
.L_overlay_start_1:
0x0: {  	(tag) =	ssettag $0x1  }
0x1: {  	s0 =	stileid.u32;
	s4 =	rddreg [dreg:$0x0]  }
0x2: {  	s1 =	srdreg.scid;
	s2 =	rddreg [dreg:$0x1];
	s5 =	simm.s32 $0x1  }
0x3: {  	s8 =	simm.s32 $0x2;
	s17 =	simm.s32 $0x0;
	s18 =	simm.s32 $0x0  }
0x4: {  	s19 =	simm.s32 $0x0;
	s10 =	simm.s32 $0x0;
	s11 =	simm.s32 $0x0  }
0x5: {  	s12 =	simm.s32 $0x0;
	s3 =	sshll.u32 s0, $0x5;
	s1 =	sshll.u32 s1, $0x9  }
0x6: {  	s13 =	simm.s32 $0x0;
	s16 =	simm.s32 $0x0;
	s3 =	sor.u32 s3, s1  }
0x7: {  	s1 =	rddreg [dreg:$0x2];
	_ =	strace $0x8000004A;
	s3 =	sand.u32 $0x380, s3  }
0x8: {  	s4 =	sadd.s32 $0x1A00, s4;
	[sflag:s5] =	ssyncpa.u1 $0x0;
	s6 =	ssub.s32 $0x4000, s3  }
.Ltmp0:
0x9: {  	[sflag:s8] =	ssyncpa.u1 $0x0;
	s7 =	sand.u32 $0x380, s6;
	(pc) =	sbr.rel .LBB1_1-.Ltmp0, $4  }
0xa: {  	s14 =	smov.u32 s3;
	p0 =	sne.s32 s7, $0x0;
	s7 =	simm.s32 $0x1  }
0xb: {  	s9 =	sshrl.u32 s6, $0xA;
	s6 =	sand.u32 $0x3, s0;
	s7 =	simm.s32 @!p0 $0x0  }
0xc: {  	s15 =	smov.u32 s6;
	p0 =	por $0x0, $0x0;
	s31 =	sadd.s32 s7, s9  }
0xd: {  	s9 =	simm.s32 $0x20000;
	s7 =	sshll.u32 s31, $0x1;
	s8 =	sshllo.u32 s31, $0x1  }
.LBB1_4:
0xe: {  	s24 =	sshra.s32 s24, $0x2;
	s30 =	sshll.u32 s10, $0xE  }
0xf: {  	p1 =	sgt.s32 s12, $0x3;
	s25 =	smov.u32 s12;
	s26 =	sshra.s32 s12, $0x1F  }
0x10: {  	s27 =	sshll.u32 s11, $0x3;
	s29 =	smov.u32 s11;
	s23 =	sadd.s32 s24, s23  }
0x11: {  	s25 =	simm.s32 @!p1 $0x3;
	s26 =	sand.u32 s26, s12;
	s24 =	sand.u32 $0xFFFE0000, s30  }
0x12: {  	s28 =	sand.u32 $0xFFFFFC00, s27;
	p1 =	sgt.s32 s10, $0x48;
	s30 =	sshra.s32 s11, $0x1F  }
0x13: {  	s25 =	ssub.s32 s25, s26;
	s24 =	sadd.s32 s28, s24;
	s28 =	smov.u32 s10  }
0x14: {  	[tilespmem:s22+$0x2040 ss:$0x81] =	vst.msk $0xffff, v4;
	s31 =	sand.u32 s30, s11;
	s30 =	sshll.u32 s10, $0x7;
	s26 =	sadd.s32 $0xFFFFFFFD, s25  }
0x15: {  	[tilespmem:s22+$0x2850 ss:$0x81] =	vst.msk $0xffff, v3;
	s28 =	simm.s32 @!p1 $0x48;
	p1 =	sgt.s32 s11, $0x3F80;
	s24 =	sshrl.u32 s24, $0xE  }
0x16: {  	v5 =	vld [tilespmem:s21+$0xFFFFFFD0];
	[tilespmem:s22+$0x3060 ss:$0x81] =	vst.msk $0xffff, v2;
	s25 =	ssub.s32 $0x4, s25;
	s29 =	simm.s32 @!p1 $0x3F80;
	p1 =	sgt.s32 s26, $0x0  }
0x17: {  	v58 =	vld [tilespmem:s21+$0xFFFFFFE0];
	[tilespmem:s22+$0x0 ss:$0x81] =	vst.msk $0xffff, v1;
	s22 =	smulhi.u32 $0x147AE15, s24;
	s26 =	ssub.s32 s29, s31;
	s31 =	sshra.s32 s10, $0x1F  }
0x18: {  	v59 =	vld [tilespmem:s21+$0xFFFFFFF0];
	s25 =	simm.s32 @p1 $0x0;
	s29 =	sand.u32 s31, s10;
	s31 =	sadd.s32 $0xFFFFC080, s26  }
0x19: {  	v60 =	vld [tilespmem:s21+$0x0];
	s26 =	ssub.s32 $0x4000, s26;
	s22 =	smul.u32 $0xC8, s22;
	s28 =	ssub.s32 s28, s29  }
0x1a: {  	v61 =	vld [tilespmem:s21+$0x10];
	[tilespmem:s23+$0x3870 ss:$0x81] =	vst.msk $0xffff, v0;
	p1 =	sgt.s32 s31, $0x7F;
	s31 =	sand.u32 $0x3C00, s27;
	s29 =	sadd.s32 $0xFFFFFFB8, s28  }
0x1b: {  	v62 =	vld [tilespmem:s21+$0x20];
	[tilespmem:s23+$0x810 ss:$0x81] =	vst.msk $0xffff, v5;
	s26 =	simm.s32 @p1 $0x0;
	s27 =	ssub.s32 $0xC8, s28;
	s22 =	ssub.s32 s24, s22  }
0x1c: {  	v63 =	vld [tilespmem:s21+$0xFFFFFFC0];
	[tilespmem:s23+$0x1020 ss:$0x81] =	vst.msk $0xffff, v58;
	p1 =	sgt.s32 s29, $0x7F;
	s25 =	smul.u32 s25, s26;
	s26 =	sand.u32 $0x78, s11  }
0x1d: {  	[tilespmem:s23+$0x1830 ss:$0x81] =	vst.msk $0xffff, v59;
	s29 =	sand.u32 $0x380, s30;
	s30 =	smul.u32 $0x64000, s12;
	s21 =	sor.u32 s26, s31  }
0x1e: {  	[tilespmem:s23+$0x2040 ss:$0x81] =	vst.msk $0xffff, v60;
	s28 =	sand.u32 $0x7, s11;
	s27 =	simm.s32 @p1 $0x0;
	s21 =	sor.u32 s29, s21  }
0x1f: {  	[tilespmem:s23+$0x2850 ss:$0x81] =	vst.msk $0xffff, v61;
	s31 =	smul.u32 s27, s25;
	s27 =	sadd.s32 s2, s30;
	s21 =	sshrl.u32 s21, $0x3  }
0x20: {  	[tilespmem:s23+$0x3060 ss:$0x81] =	vst.msk $0xffff, v62;
	s22 =	sshll.u32 s22, $0xB;
	s29 =	sshll.u32 s28, $0x12;
	s21 =	sadd.s32 s21, s27  }
0x21: {  	[tilespmem:s23+$0x0 ss:$0x81] =	vst.msk $0xffff, v63;
	s30 =	sand.u32 $0x3FFFFFFF, s31;
	s31 =	sor.u32 $0x400, s29;
	s21 =	sadd.s32 s22, s21  }
0x22: {  	[hbm4b:s21+s31] =	stream.strided.scatter [tilespmem:s20], [sflag:$0x2], s30, s9, s31, $0x20;
	[tilespmem:$0x10100] =	vst v63  }
.LBB1_5:
0x23: {  	p1 =	slt.u32 s16, $0x2  }
0x24: {  	p2 =	sgt.s32 @!p1 s19, $0x3  }
0x25: {  	s20 =	smov.u32 s19;
	s21 =	sshra.s32 @!p1 s19, $0x1F;
	p2 =	por !p2, p1  }
0x26: {  	s19 =	sand.u32 @!p1 s21, s19;
	s20 =	simm.s32 @p2 $0x3  }
0x27: {  	p3 =	sgt.s32 @!p1 s18, $0x3F80;
	s19 =	ssub.s32 @!p1 s20, s19  }
0x28: {  	p3 =	por !p3, p1;
	s21 =	sshra.s32 @!p1 s18, $0x1F;
	s20 =	sadd.s32 @!p1 $0xFFFFFFFD, s19  }
0x29: {  	s19 =	ssub.s32 @!p1 $0x4, s19;
	p2 =	sgt.s32 @!p1 s20, $0x0;
	s20 =	smov.u32 s18  }
0x2a: {  	s18 =	sand.u32 @!p1 s21, s18;
	s20 =	simm.s32 @p3 $0x3F80;
	p3 =	sgt.s32 @!p1 s17, $0x48  }
0x2b: {  	s21 =	smov.u32 s17;
	p2 =	por !p2, p1;
	p3 =	por !p3, p1  }
0x2c: {  	s18 =	ssub.s32 @!p1 s20, s18;
	s20 =	sshra.s32 @!p1 s17, $0x1F;
	s19 =	simm.s32 @!p2 $0x0  }
0x2d: {  	s21 =	simm.s32 @p3 $0x48;
	s17 =	sand.u32 @!p1 s20, s17;
	s20 =	sadd.s32 @!p1 $0xFFFFC080, s18  }
0x2e: {  	s18 =	ssub.s32 @!p1 $0x4000, s18;
	s17 =	ssub.s32 @!p1 s21, s17;
	p2 =	sgt.s32 @!p1 s20, $0x7F  }
0x2f: {  	s21 =	smov.u32 s14;
	s20 =	sadd.s32 @!p1 $0xFFFFFFB8, s17;
	p2 =	por !p2, p1  }
0x30: {  	s17 =	ssub.s32 @!p1 $0xC8, s17;
	p3 =	sgt.s32 @!p1 s20, $0x7F;
	s18 =	simm.s32 @!p2 $0x0  }
0x31: {  	s20 =	sadd.s32 $0x80, s13;
	p2 =	por !p3, p1;
	s18 =	smul.u32 @!p1 s19, s18  }
0x32: {  	s19 =	sadd.s32 $0x400, s14;
	s17 =	simm.s32 @!p2 $0x0;
	p2 =	sgt.s32 s20, $0xC7  }
0x33: {  	s22 =	smov.u32 s15;
	s21 =	smov.u32 @p2 s19  }
0x34: {  	s17 =	smul.u32 @!p1 s17, s18;
	s18 =	sadd.s32 $0x4, s15;
	p3 =	sgt.s32 s21, $0x3FFF  }
0x35: {  	p0 =	por !p0, !p0;
	s23 =	simm.s32 @!p1 $0x2;
	s22 =	smov.u32 @p3 s18  }
0x36: {  	s20 =	simm.s32 @p2 $0x0;
	s19 =	smov.u32 s12;
	p2 =	sgt.s32 s22, $0x3  }
0x37: {  	s12 =	smov.u32 s15;
	s22 =	smov.u32 @p2 s6;
	p2 =	sne.s32 s16, s8  }
.Ltmp1:
0x38: {  	s17 =	sand.u32 @!p1 $0x3FFFFFFF, s17;
	s21 =	smov.u32 @p3 s3;
	(pc) =	sbr.rel @!p2 .LBB1_6-.Ltmp1, $4  }
0x39: {  	s18 =	smov.u32 s11;
	s11 =	smov.u32 s14;
	_ =	swait.ge @!p1 [sflag:s23], s17  }
0x3a: {  	s24 =	ssub.s32 @!p1 $0x0, s17;
	s17 =	smov.u32 s10;
	s10 =	smov.u32 s13  }
0x3b: {  	s13 =	smov.u32 s20;
	s14 =	smov.u32 s21;
	[sflag:s23] =	ssyncset.done @!p1 $0x0  }
0x3c: {  	s16 =	sadd.s32 $0x1, s16;
	[sflag:s23] =	ssyncadd.s32 @!p1 s24;
	s15 =	smov.u32 s22  }
.LBB1_1:
0x3d: {  	p1 =	sge.u32 s16, s7  }
0x3e: {  	s31 =	sadd.s32 $0xFFFFFFFF, s16;
	s20 =	sxor.u32 @!p1 $0xFFFFFFFF, s16  }
0x3f: {  	s21 =	sshll.u32 @!p1 s14, $0x8;
	s22 =	sshll.u32 @!p1 s13, $0x3;
	s24 =	sand.u32 @!p1 $0x78, s13  }
0x40: {  	s23 =	sshll.u32 @!p1 s14, $0x7;
	s21 =	sand.u32 @!p1 $0x3FF800, s21;
	s22 =	sand.u32 @!p1 $0x3FFC00, s22  }
0x41: {  	s20 =	sshll.u32 @!p1 s20, $0xE;
	s21 =	sadd.s32 @!p1 s21, s22;
	s22 =	sand.u32 @!p1 $0x300, s23  }
0x42: {  	s20 =	sand.u32 @!p1 $0x4000, s20;
	s21 =	sor.u32 @!p1 s22, s21;
	s22 =	sand.u32 @!p1 $0x80, s23  }
0x43: {  	s23 =	sshll.u32 @!p1 s15, $0x13;
	s22 =	sor.u32 @!p1 s24, s22;
	s21 =	sshrl.u32 @!p1 s21, $0x3  }
0x44: {  	s23 =	sadd.s32 @!p1 s4, s23;
	s24 =	sand.u32 @!p1 $0x7, s13;
	s22 =	sshrl.u32 @!p1 s22, $0x3  }
0x45: {  	s21 =	sand.u32 @!p1 $0x7FFE0, s21;
	s22 =	sadd.s32 @!p1 s22, s23;
	s23 =	sshll.u32 @!p1 s24, $0x12  }
0x46: {  	s21 =	sadd.s32 @!p1 s21, s22;
	s22 =	sor.u32 @!p1 $0x400, s23;
	s23 =	simm.s32 @!p1 $0x800  }
0x47: {  	[tilespmem:s20], [sflag:$0x1] =	stream.strided.gather @!p1 [hbm4b:s21+s22], $0x4000, s23, s22, $0x38;
	[tilespmem:$0x10100] =	vst v63  }
0x48: {  	p1 =	sge.u32 s31, s7  }
.Ltmp2:
0x49: {  	_ = 	snop;
	(pc) =	sbr.rel @p1 .LBB1_5-.Ltmp2, $1  }
0x4a: {  	_ =	sdelay $0x3  }
0x4b: {  	s20 =	simm.s32 $0x1  }
0x4c: {  	_ =	swait.ge [sflag:s5], $0x4000;
	s20 =	simm.s32 @!p0 $0x0  }
0x4d: {  	[sflag:s5] =	ssyncset.done $0x0;
	s21 =	sshll.u32 s20, $0xE  }
0x4e: {  	[sflag:s5] =	ssyncadd.s32 $0xFFFFC000;
	s21 =	sor.u32 $0x40, s21  }
0x4f: {  	s20 =	smul.u32 $0x10200, s20;
	v0 =	vld [tilespmem:s21+$0x30]  }
0x50: {  	v1 =	vld [tilespmem:s21+$0xFFFFFFD0]  }
0x51: {  	s20 =	sshrl.u32 s20, $0x2;
	v5 =	vld [tilespmem:s21+$0xFFFFFFE0]  }
0x52: {  	v6 =	vld [tilespmem:s21+$0xFFFFFFF0];
	s23 =	sor.u32 $0x8000, s20  }
0x53: {  	s31 =	sand.u32 $0x1, s16;
	v4 =	vld [tilespmem:s21+$0x0];
	s22 =	sadd.s32 $0x0, s23  }
0x54: {  	v3 =	vld [tilespmem:s21+$0x10];
	s20 =	smul.u32 $0x10200, s31;
	[tilespmem:s22+$0x3870 ss:$0x81] =	vst.msk $0xffff, v0  }
0x55: {  	v2 =	vld [tilespmem:s21+$0x20];
	[tilespmem:s22+$0x810 ss:$0x81] =	vst.msk $0xffff, v1  }
0x56: {  	s20 =	sshrl.u32 s20, $0x2;
	v1 =	vld [tilespmem:s21+$0xFFFFFFC0];
	[tilespmem:s22+$0x1020 ss:$0x81] =	vst.msk $0xffff, v5;
	s21 =	sadd.s32 $0x80, s21  }
0x57: {  	s24 =	simm.s32 $0x4;
	s25 =	simm.s32 $0x8;
	s20 =	sor.u32 $0x8000, s20;
	[tilespmem:s22+$0x1830 ss:$0x81] =	vst.msk $0xffff, v6;
	v0 =	vld [tilespmem:s21+$0x30]  }
.LBB1_3:
0x58: {  	p1 =	sne.s32 s25, $0x1FC;
	v5 =	vld [tilespmem:s21+$0xFFFFFFD0];
	[tilespmem:s22+$0x2040 ss:$0x81] =	vst.msk $0xffff, v4  }
0x59: {  	v6 =	vld [tilespmem:s21+$0xFFFFFFE0];
	[tilespmem:s22+$0x2850 ss:$0x81] =	vst.msk $0xffff, v3  }
0x5a: {  	s26 =	sshra.s32 s24, $0x2;
	s24 =	smov.u32 s25;
	v7 =	vld [tilespmem:s21+$0xFFFFFFF0];
	[tilespmem:s22+$0x3060 ss:$0x81] =	vst.msk $0xffff, v2  }
.Ltmp3:
0x5b: {  	v4 =	vld [tilespmem:s21+$0x0];
	[tilespmem:s22+$0x0 ss:$0x81] =	vst.msk $0xffff, v1;
	s22 =	sadd.s32 s26, s23;
	(pc) =	sbr.rel @p1 .LBB1_3-.Ltmp3, $4  }
0x5c: {  	v3 =	vld [tilespmem:s21+$0x10];
	[tilespmem:s22+$0x3870 ss:$0x81] =	vst.msk $0xffff, v0  }
0x5d: {  	[tilespmem:s22+$0x810 ss:$0x81] =	vst.msk $0xffff, v5;
	v2 =	vld [tilespmem:s21+$0x20]  }
0x5e: {  	v1 =	vld [tilespmem:s21+$0xFFFFFFC0];
	[tilespmem:s22+$0x1020 ss:$0x81] =	vst.msk $0xffff, v6;
	s21 =	sadd.s32 $0x80, s21  }
0x5f: {  	s25 =	sadd.s32 $0x4, s25;
	v0 =	vld [tilespmem:s21+$0x30];
	[tilespmem:s22+$0x1830 ss:$0x81] =	vst.msk $0xffff, v7  }
.Ltmp4:
0x60: {  	_ = 	snop;
	(pc) =	sbr.rel .LBB1_4-.Ltmp4, $1  }
0x61: {  	_ =	sdelay $0x3  }
.LBB1_6:
0x62: {  	_ =	sfence.sel $0x180000  }
0x63: {  	s2 =	simm.s32 $0x1;
	[bflag:$0x0] =	sbarrier.arrive $0xFFFF  }
0x64: {  	s31 =	simm.s32 $0x2;
	[sflag:s2] =	ssyncpa.u1 $0x1  }
0x65: {  	[sflag:s31] =	ssyncpa.u1 $0x1  }
0x66: {  	p0 =	sne.s32 s0, $0x0;
	_ =	strace $0x9000004A  }
0x67: {  	s0 =	sadd.s32 @!p0 $0x100000, s1;
	[bflag:$0x2] =	sbarrier.arrive $0xFFFF  }
0x68: {  	[sflag:s0] =	ssyncadd.tile.s32 @!p0 $0x1;
	_ =	shalt  }
.Lfunc_end1:
_tile_overlayer_lowered:
.L_overlay_start_2:
0x69: {  	(tag) =	ssettag $0x2  }
0x6a: {  	s0 =	rddreg [dreg:$0x0];
	s2 =	stileid.u32  }
0x6b: {  	s1 =	rddreg [dreg:$0x1];
	p0 =	sne.s32 s2, $0x0  }
0x6c: {  	s3 =	rddreg [dreg:$0x2];
	[bflag:$0x3] =	sbarrier.arrive $0xFFFF;
	s2 =	simm.s32 @!p0 $0x1C01  }
0x6d: {  	[timem:s3], [sflag:s2] =	dma.local @!p0 [hbm:s0], s1  }
0x6e: {  	s0 =	simm.s32 @!p0 $0x1  }
0x6f: {  	_ =	swait.ge @!p0 [sflag:s0], s1  }
0x70: {  	s1 =	ssub.s32 @!p0 $0x0, s1;
	[sflag:s0] =	ssyncset.done @!p0 $0x0  }
0x71: {  	[sflag:s0] =	ssyncadd.s32 @!p0 s1  }
0x72: {  	[bflag:$0x3] =	sbarrier.arrive $0xFFFF  }
0x73: {  	_ =	shalt  }

</sc_bundles>
